<compile_context>
chip_gen: v7x
topology: tpu7x:2x2x1
jax: 0.10.2.dev20260603
libtpu: 0.0.44.dev20260713+nightly
codegen_flags: <defaults>
</compile_context>

<pallas_src>
import functools

import jax
import jax.numpy as jnp
from jax import lax
from jax.experimental import pallas as pl
from jax.experimental.pallas import tpu as pltpu
from jax.experimental.pallas import tpu_sc as plsc

_NC, _NS = 2, 16
_CHUNK = 125


def _sc_histogram(ei_flat, e, n_pad):
    ept = e // (_NC * _NS)
    stripe = n_pad // _NS
    L = 16
    mesh = plsc.VectorSubcoreMesh(core_axis_name="c", subcore_axis_name="s")

    @functools.partial(
        pl.kernel,
        out_type=jax.ShapeDtypeStruct((2 * n_pad,), jnp.float32),
        mesh=mesh,
        compiler_params=pltpu.CompilerParams(needs_layout_passes=False),
        scratch_types=[
            pltpu.VMEM((ept,), jnp.int32),
            pltpu.VMEM((n_pad,), jnp.float32),
            pltpu.VMEM((_NS, stripe), jnp.float32),
            pltpu.VMEM((stripe,), jnp.float32),
            pltpu.VMEM_SHARED((_NS, n_pad), jnp.float32),
            pltpu.SemaphoreType.DMA,
        ],
    )
    def hist(ei_hbm, out_hbm, dst_v, hist_v, slab_v, tot_v, sh, sem):
        cid = lax.axis_index("c")
        sid = lax.axis_index("s")
        pltpu.sync_copy(
            ei_hbm.at[pl.ds(e + (cid * _NS + sid) * ept, ept)], dst_v)

        zeros = jnp.zeros((L,), jnp.float32)

        @pl.loop(0, n_pad // L)
        def _(i):
            hist_v[pl.ds(i * L, L)] = zeros

        ones = jnp.ones((L,), jnp.float32)

        @pl.loop(0, ept // L)
        def _(k):
            idx = dst_v[pl.ds(k * L, L)]
            plsc.addupdate_scatter(hist_v, [idx], ones)

        pltpu.sync_copy(hist_v, sh.at[sid])
        plsc.subcore_barrier()
        pltpu.sync_copy(sh.at[:, pl.ds(sid * stripe, stripe)], slab_v)

        @pl.loop(0, stripe // L)
        def _(r):
            sl = pl.ds(r * L, L)
            acc = slab_v[0, sl]
            for t in range(1, _NS):
                acc = acc + slab_v[t, sl]
            tot_v[sl] = acc

        pltpu.sync_copy(
            tot_v, out_hbm.at[pl.ds(cid * n_pad + sid * stripe, stripe)])

    return hist(ei_flat)


def _sc_aggregate(h, ei3, z):
    n, d = h.shape
    n_pad = ((n + 128 * _NS - 1) // (128 * _NS)) * (128 * _NS)
    rows_total = ei3.shape[1]
    rows_per_tile = rows_total // (_NC * _NS)
    stripe = n_pad // _NS
    assert z.shape[0] == stripe

    mesh = plsc.VectorSubcoreMesh(core_axis_name="c", subcore_axis_name="s")

    @functools.partial(
        pl.kernel,
        out_type=jax.ShapeDtypeStruct((_NC, n_pad, d), jnp.float32),
        mesh=mesh,
        scratch_types=[
            pltpu.VMEM((rows_per_tile, _CHUNK), jnp.int32),
            pltpu.VMEM((rows_per_tile, _CHUNK), jnp.int32),
            pltpu.VMEM((_CHUNK, d), jnp.float32),
            pltpu.VMEM_SHARED((n_pad, d), jnp.float32),
            pltpu.SemaphoreType.DMA,
        ],
    )
    def agg(h_hbm, ei_hbm, z_hbm, out_hbm,
            src_v, dst_v, rows_v, acc_sh, sem0):
        cid = lax.axis_index("c")
        sid = lax.axis_index("s")
        base = sid * stripe
        pltpu.sync_copy(z_hbm, acc_sh.at[pl.ds(base, stripe)])
        row0 = (cid * _NS + sid) * rows_per_tile
        sl_rows = pl.ds(row0, rows_per_tile)
        pltpu.sync_copy(ei_hbm.at[0].at[sl_rows], src_v)
        pltpu.sync_copy(ei_hbm.at[1].at[sl_rows], dst_v)
        plsc.subcore_barrier()

        @pl.loop(0, rows_per_tile)
        def _(j):
            pltpu.async_copy(h_hbm.at[src_v.at[j]], rows_v, sem0).wait()
            pltpu.sync_copy(rows_v, acc_sh.at[dst_v.at[j]], add=True)

        plsc.subcore_barrier()
        sl = pl.ds(base, stripe)
        pltpu.sync_copy(acc_sh.at[sl], out_hbm.at[cid].at[sl])

    return agg(h, ei3, z)


def _sg_mm_body(parts_ref, h_ref, norm_ref, w_ref, out_ref):
    a = parts_ref[0] + parts_ref[1] + h_ref[...]
    prod = jnp.dot(a, w_ref[...], preferred_element_type=jnp.float32)
    out_ref[...] = prod * norm_ref[...]


def _head_body(x2_ref, wt_ref, b_ref, out_ref, feat_ref):
    h2u = x2_ref[...]
    s = jnp.sum(h2u * h2u, axis=1, keepdims=True)
    inv = jax.lax.rsqrt(jnp.maximum(s, 1e-24))
    feat = h2u * inv
    feat_ref[...] = feat
    out_ref[...] = (
        jnp.dot(feat, wt_ref[...], preferred_element_type=jnp.float32) + b_ref[...]
    )


def kernel(x, edge_index, W1, W_out, b_out):
    n, d = x.shape
    c = W_out.shape[0]
    e = edge_index.shape[1]

    n_pad = ((n + 128 * _NS - 1) // (128 * _NS)) * (128 * _NS)
    hist2 = _sc_histogram(edge_index.reshape(2 * e), e, n_pad)
    cntf = hist2[:n] + hist2[n_pad:n_pad + n]
    norm = jax.lax.rsqrt(cntf + 1.0)

    h = x * norm[:, None]
    parts = _sc_aggregate(
        h,
        edge_index.reshape(2, e // _CHUNK, _CHUNK),
        jnp.zeros((n_pad // _NS, d), x.dtype),
    )

    bm = 1000
    grid = (n // bm,)
    h2 = pl.pallas_call(
        _sg_mm_body,
        grid=grid,
        in_specs=[
            pl.BlockSpec((2, bm, d), lambda i: (0, i, 0)),
            pl.BlockSpec((bm, d), lambda i: (i, 0)),
            pl.BlockSpec((bm, 1), lambda i: (i, 0)),
            pl.BlockSpec((d, d), lambda i: (0, 0)),
        ],
        out_specs=pl.BlockSpec((bm, d), lambda i: (i, 0)),
        out_shape=jax.ShapeDtypeStruct((n, d), x.dtype),
    )(parts, h, norm[:, None], W1)

    present = (cntf > 0).astype(jnp.int32)
    ranks = jnp.cumsum(present) - 1
    u = (
        jnp.zeros((n,), edge_index.dtype)
        .at[jnp.where(present > 0, ranks, n)]
        .set(jnp.arange(n, dtype=edge_index.dtype), mode="drop")
    )

    x2 = h2.at[u].get(mode="promise_in_bounds")

    out, feat = pl.pallas_call(
        _head_body,
        grid=grid,
        in_specs=[
            pl.BlockSpec((bm, d), lambda i: (i, 0)),
            pl.BlockSpec((d, c), lambda i: (0, 0)),
            pl.BlockSpec((1, c), lambda i: (0, 0)),
        ],
        out_specs=[
            pl.BlockSpec((bm, c), lambda i: (i, 0)),
            pl.BlockSpec((bm, d), lambda i: (i, 0)),
        ],
        out_shape=[
            jax.ShapeDtypeStruct((n, c), x.dtype),
            jax.ShapeDtypeStruct((n, d), x.dtype),
        ],
    )(x2, W_out.T, b_out[None, :])
    return (out, feat)

# --- scband reference (transcript-rebuilt; emitter-appended) ---
"""Pipeline reference for scband-simple-graph-conv-24154896073116 (READ-ONLY COPY).

The authoritative reference and input builder live on the scoring server;
editing this copy changes nothing except your own understanding.
"""

import jax, jax.numpy as jnp
import numpy as np

N, E, D, C = 10000, 320000, 128, 64


def setup_inputs(seed: int = 0) -> dict:
    key = jax.random.key(seed)
    k1, k2, k3, k4 = jax.random.split(key, 4)
    x = jax.random.normal(k1, (N, D), dtype=jnp.float32)
    edge_index = jax.random.randint(k2, (2, E), 0, N)
    # learned params: SGConv weight (no bias) and output Linear
    W1 = jax.random.normal(k3, (D, D), dtype=jnp.float32) * 0.05
    W_out = jax.random.normal(k4, (C, D), dtype=jnp.float32) * 0.05
    b_out = jnp.zeros((C,), dtype=jnp.float32)
    return {"x": x, "edge_index": edge_index, "W1": W1, "W_out": W_out, "b_out": b_out}


def reference(x, edge_index, W1, W_out, b_out):
    # SimpleGraphConv with depth=1: one SGConv layer (k=1, bias=False) on the
    # graph with self-loops added, then select unique dst nodes, L2-normalize,
    # and apply the output Linear.
    n, d = x.shape
    src = edge_index[0]
    dst = edge_index[1]
    loop = jnp.arange(n, dtype=src.dtype)
    src2 = jnp.concatenate([src, loop])
    dst2 = jnp.concatenate([dst, loop])
    # symmetric normalization D^{-1/2} A_hat D^{-1/2} (DGL SGConv, k=1)
    deg = jnp.zeros((n,), dtype=x.dtype).at[dst2].add(1.0)
    norm = jax.lax.rsqrt(jnp.maximum(deg, 1.0))
    h = x * norm[:, None]
    agg = jnp.zeros((n, d), dtype=x.dtype).at[dst2].add(jnp.take(h, src2, axis=0))
    h = agg * norm[:, None]
    h = h @ W1
    # x = x[dst_unique, :]
    dst_unique = jnp.unique(dst, size=n, fill_value=0)
    x2 = jnp.take(h, dst_unique, axis=0)
    # feat = F.normalize(x)
    nrm = jnp.sqrt(jnp.sum(x2 * x2, axis=1, keepdims=True))
    feat = x2 / jnp.maximum(nrm, 1e-12)
    out = feat @ W_out.T + b_out
    return (out, feat)

if __name__ == "__main__":
    import jax
    _d = setup_inputs()
    print(jax.jit(kernel)(*tuple(_d.values())))

</pallas_src>

<mosaic_0001>
#map = affine_map<(d0, d1) -> (0)>
module attributes {stable_mosaic.version = 14 : i64} {
  func.func @hist(%arg0: i32, %arg1: i32, %arg2: memref<640000xi32, #tpu.memory_space<hbm>>, %arg3: memref<20480xf32, #tpu.memory_space<hbm>>, %arg4: memref<10000xi32, #tpu.memory_space<vmem>>, %arg5: memref<10240xf32, #tpu.memory_space<vmem>>, %arg6: memref<16x640xf32, #tpu.memory_space<vmem>>, %arg7: memref<640xf32, #tpu.memory_space<vmem>>, %arg8: memref<16x10240xf32, #tpu.memory_space<vmem_shared>>, %arg9: memref<!tpu.dma_semaphore, #tpu.memory_space<semaphore_mem>>) attributes {dimension_semantics = [#tpu.dimension_semantics<core_parallel>, #tpu.dimension_semantics<subcore_parallel>], iteration_bounds = array<i64: 2, 16>, scalar_prefetch = 0 : i64, scratch_operands = 6 : i64, tpu.core_type = #tpu.core_type<sc_vector_subcore>, window_params = [{transform_indices = #map}, {transform_indices = #map}]} {
    %mul3A = arith.constant 16 : i32
    %mul3A_0 = arith.muli %arg0, %mul3A : i32
    %add3A = arith.addi %mul3A_0, %arg1 : i32
    %mul3A_1 = arith.constant 10000 : i32
    %mul3A_2 = arith.muli %add3A, %mul3A_1 : i32
    %add3A_3 = arith.constant 320000 : i32
    %add3A_4 = arith.addi %add3A_3, %mul3A_2 : i32
    "tpu.region"() ({
      %run_scoped3A = tpu.sem_alloc : memref<!tpu.dma_semaphore, #tpu.memory_space<semaphore_mem>>
      %dma_start3A = tpu.memref_slice %arg2[%add3A_4] : memref<640000xi32, #tpu.memory_space<hbm>> -> memref<10000xi32, #tpu.memory_space<hbm>>
      %dma_start3A_29 = tpu.memref_slice %arg2[%add3A_4] : memref<640000xi32, #tpu.memory_space<hbm>> -> memref<10000xi32, #tpu.memory_space<hbm>>
      tpu.enqueue_dma source(%dma_start3A_29 : memref<10000xi32, #tpu.memory_space<hbm>>) target(%arg4 : memref<10000xi32, #tpu.memory_space<vmem>>) target_semaphore(%run_scoped3A : memref<!tpu.dma_semaphore, #tpu.memory_space<semaphore_mem>>)
      %dma_wait3A = tpu.memref_slice %arg2[%add3A_4] : memref<640000xi32, #tpu.memory_space<hbm>> -> memref<10000xi32, #tpu.memory_space<hbm>>
      %dma_wait3A_30 = tpu.memref_slice %arg2[%add3A_4] : memref<640000xi32, #tpu.memory_space<hbm>> -> memref<10000xi32, #tpu.memory_space<hbm>>
      tpu.wait_dma2 semaphore(%run_scoped3A : memref<!tpu.dma_semaphore, #tpu.memory_space<semaphore_mem>>) src(%dma_wait3A_30 : memref<10000xi32, #tpu.memory_space<hbm>>) dst(%arg4 : memref<10000xi32, #tpu.memory_space<vmem>>)
      tpu.yield
    }) : () -> ()
    %broadcast_in_dim3A = arith.constant 0.000000e+00 : f32
    %broadcast_in_dim3A_5 = vector.broadcast %broadcast_in_dim3A : f32 to vector<16xf32>
    %scan3A = arith.constant 0 : i32
    %scan3A_6 = arith.constant 640 : i32
    %scan3A_7 = arith.addi %scan3A, %scan3A_6 : i32
    %scan3A_8 = arith.constant 1 : i32
    scf.for %scan3A_29 = %scan3A to %scan3A_7 step %scan3A_8  : i32 {
      %mul3A_30 = arith.constant 1 : i32
      %mul3A_31 = arith.muli %scan3A_29, %mul3A_30 : i32
      %add3A_32 = arith.constant 0 : i32
      %add3A_33 = arith.addi %add3A_32, %mul3A_31 : i32
      %mul3A_34 = arith.constant 16 : i32
      %mul3A_35 = arith.muli %add3A_33, %mul3A_34 : i32
      %swap3A = arith.index_cast %mul3A_35 : i32 to index
      %swap3A_36 = tpu.vector_load %arg5[%swap3A] {strides = array<i32>} : memref<10240xf32, #tpu.memory_space<vmem>>, vector<16xf32>,
      tpu.vector_store %arg5[%swap3A], %broadcast_in_dim3A_5 {strides = array<i32>} : memref<10240xf32, #tpu.memory_space<vmem>>, vector<16xf32>,
    }
    %scan3A_9 = arith.constant 640 : i32
    %broadcast_in_dim3A_10 = arith.constant 1.000000e+00 : f32
    %broadcast_in_dim3A_11 = vector.broadcast %broadcast_in_dim3A_10 : f32 to vector<16xf32>
    %scan3A_12 = arith.constant 0 : i32
    %scan3A_13 = arith.constant 625 : i32
    %scan3A_14 = arith.addi %scan3A_12, %scan3A_13 : i32
    %scan3A_15 = arith.constant 1 : i32
    scf.for %scan3A_29 = %scan3A_12 to %scan3A_14 step %scan3A_15  : i32 {
      %mul3A_30 = arith.constant 1 : i32
      %mul3A_31 = arith.muli %scan3A_29, %mul3A_30 : i32
      %add3A_32 = arith.constant 0 : i32
      %add3A_33 = arith.addi %add3A_32, %mul3A_31 : i32
      %mul3A_34 = arith.constant 16 : i32
      %mul3A_35 = arith.muli %add3A_33, %mul3A_34 : i32
      %get3A = arith.index_cast %mul3A_35 : i32 to index
      %get3A_36 = tpu.vector_load %arg4[%get3A] {strides = array<i32>} : memref<10000xi32, #tpu.memory_space<vmem>>, vector<16xi32>,
      tpu.vector_store_idx %arg5[%get3A_36], %broadcast_in_dim3A_11 {add = true} : memref<10240xf32, #tpu.memory_space<vmem>>[vector<16xi32>], vector<16xf32>,
    }
    %scan3A_16 = arith.constant 625 : i32
    "tpu.region"() ({
      %run_scoped3A = tpu.sem_alloc : memref<!tpu.dma_semaphore, #tpu.memory_space<semaphore_mem>>
      %dma_start3A = arith.constant 0 : i32
      %dma_start3A_29 = tpu.memref_slice %arg8[%arg1, %dma_start3A] : memref<16x10240xf32, #tpu.memory_space<vmem_shared>> -> memref<1x10240xf32, #tpu.memory_space<vmem_shared>>
      %dma_start3A_30 = tpu.memref_squeeze %dma_start3A_29 : memref<1x10240xf32, #tpu.memory_space<vmem_shared>> -> memref<10240xf32, #tpu.memory_space<vmem_shared>>
      %dma_start3A_31 = arith.constant 0 : i32
      %dma_start3A_32 = tpu.memref_slice %arg8[%arg1, %dma_start3A_31] : memref<16x10240xf32, #tpu.memory_space<vmem_shared>> -> memref<1x10240xf32, #tpu.memory_space<vmem_shared>>
      %dma_start3A_33 = tpu.memref_squeeze %dma_start3A_32 : memref<1x10240xf32, #tpu.memory_space<vmem_shared>> -> memref<10240xf32, #tpu.memory_space<vmem_shared>>
      tpu.enqueue_dma source(%arg5 : memref<10240xf32, #tpu.memory_space<vmem>>) target(%dma_start3A_33 : memref<10240xf32, #tpu.memory_space<vmem_shared>>) target_semaphore(%run_scoped3A : memref<!tpu.dma_semaphore, #tpu.memory_space<semaphore_mem>>)
      %dma_wait3A = arith.constant 0 : i32
      %dma_wait3A_34 = tpu.memref_slice %arg8[%arg1, %dma_wait3A] : memref<16x10240xf32, #tpu.memory_space<vmem_shared>> -> memref<1x10240xf32, #tpu.memory_space<vmem_shared>>
      %dma_wait3A_35 = tpu.memref_squeeze %dma_wait3A_34 : memref<1x10240xf32, #tpu.memory_space<vmem_shared>> -> memref<10240xf32, #tpu.memory_space<vmem_shared>>
      %dma_wait3A_36 = arith.constant 0 : i32
      %dma_wait3A_37 = tpu.memref_slice %arg8[%arg1, %dma_wait3A_36] : memref<16x10240xf32, #tpu.memory_space<vmem_shared>> -> memref<1x10240xf32, #tpu.memory_space<vmem_shared>>
      %dma_wait3A_38 = tpu.memref_squeeze %dma_wait3A_37 : memref<1x10240xf32, #tpu.memory_space<vmem_shared>> -> memref<10240xf32, #tpu.memory_space<vmem_shared>>
      tpu.wait_dma2 semaphore(%run_scoped3A : memref<!tpu.dma_semaphore, #tpu.memory_space<semaphore_mem>>) src(%arg5 : memref<10240xf32, #tpu.memory_space<vmem>>) dst(%dma_wait3A_38 : memref<10240xf32, #tpu.memory_space<vmem_shared>>)
      tpu.yield
    }) : () -> ()
    %barrier3A = arith.constant 0 : index
    tpu.barrier barrier_id(%barrier3A)
    %mul3A_17 = arith.constant 640 : i32
    %mul3A_18 = arith.muli %arg1, %mul3A_17 : i32
    "tpu.region"() ({
      %run_scoped3A = tpu.sem_alloc : memref<!tpu.dma_semaphore, #tpu.memory_space<semaphore_mem>>
      %dma_start3A = arith.constant 0 : i32
      %dma_start3A_29 = tpu.memref_slice %arg8[%dma_start3A, %mul3A_18] : memref<16x10240xf32, #tpu.memory_space<vmem_shared>> -> memref<16x640xf32, #tpu.memory_space<vmem_shared>>
      %dma_start3A_30 = arith.constant 0 : i32
      %dma_start3A_31 = tpu.memref_slice %arg8[%dma_start3A_30, %mul3A_18] : memref<16x10240xf32, #tpu.memory_space<vmem_shared>> -> memref<16x640xf32, #tpu.memory_space<vmem_shared>>
      tpu.enqueue_dma source(%dma_start3A_31 : memref<16x640xf32, #tpu.memory_space<vmem_shared>>) target(%arg6 : memref<16x640xf32, #tpu.memory_space<vmem>>) target_semaphore(%run_scoped3A : memref<!tpu.dma_semaphore, #tpu.memory_space<semaphore_mem>>)
      %dma_wait3A = arith.constant 0 : i32
      %dma_wait3A_32 = tpu.memref_slice %arg8[%dma_wait3A, %mul3A_18] : memref<16x10240xf32, #tpu.memory_space<vmem_shared>> -> memref<16x640xf32, #tpu.memory_space<vmem_shared>>
      %dma_wait3A_33 = arith.constant 0 : i32
      %dma_wait3A_34 = tpu.memref_slice %arg8[%dma_wait3A_33, %mul3A_18] : memref<16x10240xf32, #tpu.memory_space<vmem_shared>> -> memref<16x640xf32, #tpu.memory_space<vmem_shared>>
      tpu.wait_dma2 semaphore(%run_scoped3A : memref<!tpu.dma_semaphore, #tpu.memory_space<semaphore_mem>>) src(%dma_wait3A_34 : memref<16x640xf32, #tpu.memory_space<vmem_shared>>) dst(%arg6 : memref<16x640xf32, #tpu.memory_space<vmem>>)
      tpu.yield
    }) : () -> ()
    %scan3A_19 = arith.constant 0 : i32
    %scan3A_20 = arith.constant 40 : i32
    %scan3A_21 = arith.addi %scan3A_19, %scan3A_20 : i32
    %scan3A_22 = arith.constant 1 : i32
    scf.for %scan3A_29 = %scan3A_19 to %scan3A_21 step %scan3A_22  : i32 {
      %mul3A_30 = arith.constant 1 : i32
      %mul3A_31 = arith.muli %scan3A_29, %mul3A_30 : i32
      %add3A_32 = arith.constant 0 : i32
      %add3A_33 = arith.addi %add3A_32, %mul3A_31 : i32
      %mul3A_34 = arith.constant 16 : i32
      %mul3A_35 = arith.muli %add3A_33, %mul3A_34 : i32
      %get3A = arith.constant 0 : i32
      %get3A_36 = arith.index_cast %get3A : i32 to index
      %get3A_37 = arith.index_cast %mul3A_35 : i32 to index
      %get3A_38 = tpu.vector_load %arg6[%get3A_36, %get3A_37] {strides = array<i32>} : memref<16x640xf32, #tpu.memory_space<vmem>>, vector<16xf32>,
      %get3A_39 = arith.constant 1 : i32
      %get3A_40 = arith.index_cast %get3A_39 : i32 to index
      %get3A_41 = arith.index_cast %mul3A_35 : i32 to index
      %get3A_42 = tpu.vector_load %arg6[%get3A_40, %get3A_41] {strides = array<i32>} : memref<16x640xf32, #tpu.memory_space<vmem>>, vector<16xf32>,
      %add3A_43 = arith.addf %get3A_38, %get3A_42 : vector<16xf32>
      %get3A_44 = arith.constant 2 : i32
      %get3A_45 = arith.index_cast %get3A_44 : i32 to index
      %get3A_46 = arith.index_cast %mul3A_35 : i32 to index
      %get3A_47 = tpu.vector_load %arg6[%get3A_45, %get3A_46] {strides = array<i32>} : memref<16x640xf32, #tpu.memory_space<vmem>>, vector<16xf32>,
      %add3A_48 = arith.addf %add3A_43, %get3A_47 : vector<16xf32>
      %get3A_49 = arith.constant 3 : i32
      %get3A_50 = arith.index_cast %get3A_49 : i32 to index
      %get3A_51 = arith.index_cast %mul3A_35 : i32 to index
      %get3A_52 = tpu.vector_load %arg6[%get3A_50, %get3A_51] {strides = array<i32>} : memref<16x640xf32, #tpu.memory_space<vmem>>, vector<16xf32>,
      %add3A_53 = arith.addf %add3A_48, %get3A_52 : vector<16xf32>
      %get3A_54 = arith.constant 4 : i32
      %get3A_55 = arith.index_cast %get3A_54 : i32 to index
      %get3A_56 = arith.index_cast %mul3A_35 : i32 to index
      %get3A_57 = tpu.vector_load %arg6[%get3A_55, %get3A_56] {strides = array<i32>} : memref<16x640xf32, #tpu.memory_space<vmem>>, vector<16xf32>,
      %add3A_58 = arith.addf %add3A_53, %get3A_57 : vector<16xf32>
      %get3A_59 = arith.constant 5 : i32
      %get3A_60 = arith.index_cast %get3A_59 : i32 to index
      %get3A_61 = arith.index_cast %mul3A_35 : i32 to index
      %get3A_62 = tpu.vector_load %arg6[%get3A_60, %get3A_61] {strides = array<i32>} : memref<16x640xf32, #tpu.memory_space<vmem>>, vector<16xf32>,
      %add3A_63 = arith.addf %add3A_58, %get3A_62 : vector<16xf32>
      %get3A_64 = arith.constant 6 : i32
      %get3A_65 = arith.index_cast %get3A_64 : i32 to index
      %get3A_66 = arith.index_cast %mul3A_35 : i32 to index
      %get3A_67 = tpu.vector_load %arg6[%get3A_65, %get3A_66] {strides = array<i32>} : memref<16x640xf32, #tpu.memory_space<vmem>>, vector<16xf32>,
      %add3A_68 = arith.addf %add3A_63, %get3A_67 : vector<16xf32>
      %get3A_69 = arith.constant 7 : i32
      %get3A_70 = arith.index_cast %get3A_69 : i32 to index
      %get3A_71 = arith.index_cast %mul3A_35 : i32 to index
      %get3A_72 = tpu.vector_load %arg6[%get3A_70, %get3A_71] {strides = array<i32>} : memref<16x640xf32, #tpu.memory_space<vmem>>, vector<16xf32>,
      %add3A_73 = arith.addf %add3A_68, %get3A_72 : vector<16xf32>
      %get3A_74 = arith.constant 8 : i32
      %get3A_75 = arith.index_cast %get3A_74 : i32 to index
      %get3A_76 = arith.index_cast %mul3A_35 : i32 to index
      %get3A_77 = tpu.vector_load %arg6[%get3A_75, %get3A_76] {strides = array<i32>} : memref<16x640xf32, #tpu.memory_space<vmem>>, vector<16xf32>,
      %add3A_78 = arith.addf %add3A_73, %get3A_77 : vector<16xf32>
      %get3A_79 = arith.constant 9 : i32
      %get3A_80 = arith.index_cast %get3A_79 : i32 to index
      %get3A_81 = arith.index_cast %mul3A_35 : i32 to index
      %get3A_82 = tpu.vector_load %arg6[%get3A_80, %get3A_81] {strides = array<i32>} : memref<16x640xf32, #tpu.memory_space<vmem>>, vector<16xf32>,
      %add3A_83 = arith.addf %add3A_78, %get3A_82 : vector<16xf32>
      %get3A_84 = arith.constant 10 : i32
      %get3A_85 = arith.index_cast %get3A_84 : i32 to index
      %get3A_86 = arith.index_cast %mul3A_35 : i32 to index
      %get3A_87 = tpu.vector_load %arg6[%get3A_85, %get3A_86] {strides = array<i32>} : memref<16x640xf32, #tpu.memory_space<vmem>>, vector<16xf32>,
      %add3A_88 = arith.addf %add3A_83, %get3A_87 : vector<16xf32>
      %get3A_89 = arith.constant 11 : i32
      %get3A_90 = arith.index_cast %get3A_89 : i32 to index
      %get3A_91 = arith.index_cast %mul3A_35 : i32 to index
      %get3A_92 = tpu.vector_load %arg6[%get3A_90, %get3A_91] {strides = array<i32>} : memref<16x640xf32, #tpu.memory_space<vmem>>, vector<16xf32>,
      %add3A_93 = arith.addf %add3A_88, %get3A_92 : vector<16xf32>
      %get3A_94 = arith.constant 12 : i32
      %get3A_95 = arith.index_cast %get3A_94 : i32 to index
      %get3A_96 = arith.index_cast %mul3A_35 : i32 to index
      %get3A_97 = tpu.vector_load %arg6[%get3A_95, %get3A_96] {strides = array<i32>} : memref<16x640xf32, #tpu.memory_space<vmem>>, vector<16xf32>,
      %add3A_98 = arith.addf %add3A_93, %get3A_97 : vector<16xf32>
      %get3A_99 = arith.constant 13 : i32
      %get3A_100 = arith.index_cast %get3A_99 : i32 to index
      %get3A_101 = arith.index_cast %mul3A_35 : i32 to index
      %get3A_102 = tpu.vector_load %arg6[%get3A_100, %get3A_101] {strides = array<i32>} : memref<16x640xf32, #tpu.memory_space<vmem>>, vector<16xf32>,
      %add3A_103 = arith.addf %add3A_98, %get3A_102 : vector<16xf32>
      %get3A_104 = arith.constant 14 : i32
      %get3A_105 = arith.index_cast %get3A_104 : i32 to index
      %get3A_106 = arith.index_cast %mul3A_35 : i32 to index
      %get3A_107 = tpu.vector_load %arg6[%get3A_105, %get3A_106] {strides = array<i32>} : memref<16x640xf32, #tpu.memory_space<vmem>>, vector<16xf32>,
      %add3A_108 = arith.addf %add3A_103, %get3A_107 : vector<16xf32>
      %get3A_109 = arith.constant 15 : i32
      %get3A_110 = arith.index_cast %get3A_109 : i32 to index
      %get3A_111 = arith.index_cast %mul3A_35 : i32 to index
      %get3A_112 = tpu.vector_load %arg6[%get3A_110, %get3A_111] {strides = array<i32>} : memref<16x640xf32, #tpu.memory_space<vmem>>, vector<16xf32>,
      %add3A_113 = arith.addf %add3A_108, %get3A_112 : vector<16xf32>
      %swap3A = arith.index_cast %mul3A_35 : i32 to index
      %swap3A_114 = tpu.vector_load %arg7[%swap3A] {strides = array<i32>} : memref<640xf32, #tpu.memory_space<vmem>>, vector<16xf32>,
      tpu.vector_store %arg7[%swap3A], %add3A_113 {strides = array<i32>} : memref<640xf32, #tpu.memory_space<vmem>>, vector<16xf32>,
    }
    %scan3A_23 = arith.constant 40 : i32
    %mul3A_24 = arith.constant 10240 : i32
    %mul3A_25 = arith.muli %arg0, %mul3A_24 : i32
    %mul3A_26 = arith.constant 640 : i32
    %mul3A_27 = arith.muli %arg1, %mul3A_26 : i32
    %add3A_28 = arith.addi %mul3A_25, %mul3A_27 : i32
    "tpu.region"() ({
      %run_scoped3A = tpu.sem_alloc : memref<!tpu.dma_semaphore, #tpu.memory_space<semaphore_mem>>
      %dma_start3A = tpu.memref_slice %arg3[%add3A_28] : memref<20480xf32, #tpu.memory_space<hbm>> -> memref<640xf32, #tpu.memory_space<hbm>>
      %dma_start3A_29 = tpu.memref_slice %arg3[%add3A_28] : memref<20480xf32, #tpu.memory_space<hbm>> -> memref<640xf32, #tpu.memory_space<hbm>>
      tpu.enqueue_dma source(%arg7 : memref<640xf32, #tpu.memory_space<vmem>>) target(%dma_start3A_29 : memref<640xf32, #tpu.memory_space<hbm>>) target_semaphore(%run_scoped3A : memref<!tpu.dma_semaphore, #tpu.memory_space<semaphore_mem>>)
      %dma_wait3A = tpu.memref_slice %arg3[%add3A_28] : memref<20480xf32, #tpu.memory_space<hbm>> -> memref<640xf32, #tpu.memory_space<hbm>>
      %dma_wait3A_30 = tpu.memref_slice %arg3[%add3A_28] : memref<20480xf32, #tpu.memory_space<hbm>> -> memref<640xf32, #tpu.memory_space<hbm>>
      tpu.wait_dma2 semaphore(%run_scoped3A : memref<!tpu.dma_semaphore, #tpu.memory_space<semaphore_mem>>) src(%arg7 : memref<640xf32, #tpu.memory_space<vmem>>) dst(%dma_wait3A_30 : memref<640xf32, #tpu.memory_space<hbm>>)
      tpu.yield
    }) : () -> ()
    return
  }
}

#map = affine_map<(d0, d1) -> (0, 0)>
#map1 = affine_map<(d0, d1) -> (0, 0, 0)>
module attributes {stable_mosaic.version = 14 : i64} {
  func.func @agg(%arg0: i32, %arg1: i32, %arg2: memref<10000x128xf32, #tpu.memory_space<hbm>>, %arg3: memref<2x2560x125xi32, #tpu.memory_space<hbm>>, %arg4: memref<640x128xf32, #tpu.memory_space<hbm>>, %arg5: memref<2x10240x128xf32, #tpu.memory_space<hbm>>, %arg6: memref<80x125xi32, #tpu.memory_space<vmem>>, %arg7: memref<80x125xi32, #tpu.memory_space<vmem>>, %arg8: memref<125x128xf32, #tpu.memory_space<vmem>>, %arg9: memref<10240x128xf32, #tpu.memory_space<vmem_shared>>, %arg10: memref<!tpu.dma_semaphore, #tpu.memory_space<semaphore_mem>>) attributes {dimension_semantics = [#tpu.dimension_semantics<core_parallel>, #tpu.dimension_semantics<subcore_parallel>], iteration_bounds = array<i64: 2, 16>, scalar_prefetch = 0 : i64, scratch_operands = 5 : i64, tpu.core_type = #tpu.core_type<sc_vector_subcore>, window_params = [{transform_indices = #map}, {transform_indices = #map1}, {transform_indices = #map}, {transform_indices = #map1}]} {
    %mul3A = arith.constant 640 : i32
    %mul3A_0 = arith.muli %arg1, %mul3A : i32
    "tpu.region"() ({
      %run_scoped3A_11 = tpu.sem_alloc : memref<!tpu.dma_semaphore, #tpu.memory_space<semaphore_mem>>
      %dma_start3A = arith.constant 0 : i32
      %dma_start3A_12 = tpu.memref_slice %arg9[%mul3A_0, %dma_start3A] : memref<10240x128xf32, #tpu.memory_space<vmem_shared>> -> memref<640x128xf32, #tpu.memory_space<vmem_shared>>
      tpu.enqueue_dma source(%arg4 : memref<640x128xf32, #tpu.memory_space<hbm>>) target(%dma_start3A_12 : memref<640x128xf32, #tpu.memory_space<vmem_shared>>) target_semaphore(%run_scoped3A_11 : memref<!tpu.dma_semaphore, #tpu.memory_space<semaphore_mem>>)
      %dma_wait3A = arith.constant 0 : i32
      %dma_wait3A_13 = tpu.memref_slice %arg9[%mul3A_0, %dma_wait3A] : memref<10240x128xf32, #tpu.memory_space<vmem_shared>> -> memref<640x128xf32, #tpu.memory_space<vmem_shared>>
      tpu.wait_dma2 semaphore(%run_scoped3A_11 : memref<!tpu.dma_semaphore, #tpu.memory_space<semaphore_mem>>) src(%arg4 : memref<640x128xf32, #tpu.memory_space<hbm>>) dst(%dma_wait3A_13 : memref<640x128xf32, #tpu.memory_space<vmem_shared>>)
      tpu.yield
    }) : () -> ()
    %mul3A_1 = arith.constant 16 : i32
    %mul3A_2 = arith.muli %arg0, %mul3A_1 : i32
    %add3A = arith.addi %mul3A_2, %arg1 : i32
    %mul3A_3 = arith.constant 80 : i32
    %mul3A_4 = arith.muli %add3A, %mul3A_3 : i32
    %run_scoped3A = arith.constant 0 : i32
    "tpu.region"() ({
      %run_scoped3A_11 = tpu.sem_alloc : memref<!tpu.dma_semaphore, #tpu.memory_space<semaphore_mem>>
      %dma_start3A = arith.constant 0 : i32
      %dma_start3A_12 = arith.constant 0 : i32
      %dma_start3A_13 = tpu.memref_slice %arg3[%run_scoped3A, %dma_start3A, %dma_start3A_12] : memref<2x2560x125xi32, #tpu.memory_space<hbm>> -> memref<1x2560x125xi32, #tpu.memory_space<hbm>>
      %dma_start3A_14 = tpu.memref_squeeze %dma_start3A_13 : memref<1x2560x125xi32, #tpu.memory_space<hbm>> -> memref<2560x125xi32, #tpu.memory_space<hbm>>
      %dma_start3A_15 = arith.constant 0 : i32
      %dma_start3A_16 = tpu.memref_slice %dma_start3A_14[%mul3A_4, %dma_start3A_15] : memref<2560x125xi32, #tpu.memory_space<hbm>> -> memref<80x125xi32, #tpu.memory_space<hbm>>
      %dma_start3A_17 = arith.constant 0 : i32
      %dma_start3A_18 = arith.constant 0 : i32
      %dma_start3A_19 = tpu.memref_slice %arg3[%run_scoped3A, %dma_start3A_17, %dma_start3A_18] : memref<2x2560x125xi32, #tpu.memory_space<hbm>> -> memref<1x2560x125xi32, #tpu.memory_space<hbm>>
      %dma_start3A_20 = tpu.memref_squeeze %dma_start3A_19 : memref<1x2560x125xi32, #tpu.memory_space<hbm>> -> memref<2560x125xi32, #tpu.memory_space<hbm>>
      %dma_start3A_21 = arith.constant 0 : i32
      %dma_start3A_22 = tpu.memref_slice %dma_start3A_20[%mul3A_4, %dma_start3A_21] : memref<2560x125xi32, #tpu.memory_space<hbm>> -> memref<80x125xi32, #tpu.memory_space<hbm>>
      tpu.enqueue_dma source(%dma_start3A_22 : memref<80x125xi32, #tpu.memory_space<hbm>>) target(%arg6 : memref<80x125xi32, #tpu.memory_space<vmem>>) target_semaphore(%run_scoped3A_11 : memref<!tpu.dma_semaphore, #tpu.memory_space<semaphore_mem>>)
      %dma_wait3A = arith.constant 0 : i32
      %dma_wait3A_23 = arith.constant 0 : i32
      %dma_wait3A_24 = tpu.memref_slice %arg3[%run_scoped3A, %dma_wait3A, %dma_wait3A_23] : memref<2x2560x125xi32, #tpu.memory_space<hbm>> -> memref<1x2560x125xi32, #tpu.memory_space<hbm>>
      %dma_wait3A_25 = tpu.memref_squeeze %dma_wait3A_24 : memref<1x2560x125xi32, #tpu.memory_space<hbm>> -> memref<2560x125xi32, #tpu.memory_space<hbm>>
      %dma_wait3A_26 = arith.constant 0 : i32
      %dma_wait3A_27 = tpu.memref_slice %dma_wait3A_25[%mul3A_4, %dma_wait3A_26] : memref<2560x125xi32, #tpu.memory_space<hbm>> -> memref<80x125xi32, #tpu.memory_space<hbm>>
      %dma_wait3A_28 = arith.constant 0 : i32
      %dma_wait3A_29 = arith.constant 0 : i32
      %dma_wait3A_30 = tpu.memref_slice %arg3[%run_scoped3A, %dma_wait3A_28, %dma_wait3A_29] : memref<2x2560x125xi32, #tpu.memory_space<hbm>> -> memref<1x2560x125xi32, #tpu.memory_space<hbm>>
      %dma_wait3A_31 = tpu.memref_squeeze %dma_wait3A_30 : memref<1x2560x125xi32, #tpu.memory_space<hbm>> -> memref<2560x125xi32, #tpu.memory_space<hbm>>
      %dma_wait3A_32 = arith.constant 0 : i32
      %dma_wait3A_33 = tpu.memref_slice %dma_wait3A_31[%mul3A_4, %dma_wait3A_32] : memref<2560x125xi32, #tpu.memory_space<hbm>> -> memref<80x125xi32, #tpu.memory_space<hbm>>
      tpu.wait_dma2 semaphore(%run_scoped3A_11 : memref<!tpu.dma_semaphore, #tpu.memory_space<semaphore_mem>>) src(%dma_wait3A_33 : memref<80x125xi32, #tpu.memory_space<hbm>>) dst(%arg6 : memref<80x125xi32, #tpu.memory_space<vmem>>)
      tpu.yield
    }) : () -> ()
    %run_scoped3A_5 = arith.constant 1 : i32
    "tpu.region"() ({
      %run_scoped3A_11 = tpu.sem_alloc : memref<!tpu.dma_semaphore, #tpu.memory_space<semaphore_mem>>
      %dma_start3A = arith.constant 0 : i32
      %dma_start3A_12 = arith.constant 0 : i32
      %dma_start3A_13 = tpu.memref_slice %arg3[%run_scoped3A_5, %dma_start3A, %dma_start3A_12] : memref<2x2560x125xi32, #tpu.memory_space<hbm>> -> memref<1x2560x125xi32, #tpu.memory_space<hbm>>
      %dma_start3A_14 = tpu.memref_squeeze %dma_start3A_13 : memref<1x2560x125xi32, #tpu.memory_space<hbm>> -> memref<2560x125xi32, #tpu.memory_space<hbm>>
      %dma_start3A_15 = arith.constant 0 : i32
      %dma_start3A_16 = tpu.memref_slice %dma_start3A_14[%mul3A_4, %dma_start3A_15] : memref<2560x125xi32, #tpu.memory_space<hbm>> -> memref<80x125xi32, #tpu.memory_space<hbm>>
      %dma_start3A_17 = arith.constant 0 : i32
      %dma_start3A_18 = arith.constant 0 : i32
      %dma_start3A_19 = tpu.memref_slice %arg3[%run_scoped3A_5, %dma_start3A_17, %dma_start3A_18] : memref<2x2560x125xi32, #tpu.memory_space<hbm>> -> memref<1x2560x125xi32, #tpu.memory_space<hbm>>
      %dma_start3A_20 = tpu.memref_squeeze %dma_start3A_19 : memref<1x2560x125xi32, #tpu.memory_space<hbm>> -> memref<2560x125xi32, #tpu.memory_space<hbm>>
      %dma_start3A_21 = arith.constant 0 : i32
      %dma_start3A_22 = tpu.memref_slice %dma_start3A_20[%mul3A_4, %dma_start3A_21] : memref<2560x125xi32, #tpu.memory_space<hbm>> -> memref<80x125xi32, #tpu.memory_space<hbm>>
      tpu.enqueue_dma source(%dma_start3A_22 : memref<80x125xi32, #tpu.memory_space<hbm>>) target(%arg7 : memref<80x125xi32, #tpu.memory_space<vmem>>) target_semaphore(%run_scoped3A_11 : memref<!tpu.dma_semaphore, #tpu.memory_space<semaphore_mem>>)
      %dma_wait3A = arith.constant 0 : i32
      %dma_wait3A_23 = arith.constant 0 : i32
      %dma_wait3A_24 = tpu.memref_slice %arg3[%run_scoped3A_5, %dma_wait3A, %dma_wait3A_23] : memref<2x2560x125xi32, #tpu.memory_space<hbm>> -> memref<1x2560x125xi32, #tpu.memory_space<hbm>>
      %dma_wait3A_25 = tpu.memref_squeeze %dma_wait3A_24 : memref<1x2560x125xi32, #tpu.memory_space<hbm>> -> memref<2560x125xi32, #tpu.memory_space<hbm>>
      %dma_wait3A_26 = arith.constant 0 : i32
      %dma_wait3A_27 = tpu.memref_slice %dma_wait3A_25[%mul3A_4, %dma_wait3A_26] : memref<2560x125xi32, #tpu.memory_space<hbm>> -> memref<80x125xi32, #tpu.memory_space<hbm>>
      %dma_wait3A_28 = arith.constant 0 : i32
      %dma_wait3A_29 = arith.constant 0 : i32
      %dma_wait3A_30 = tpu.memref_slice %arg3[%run_scoped3A_5, %dma_wait3A_28, %dma_wait3A_29] : memref<2x2560x125xi32, #tpu.memory_space<hbm>> -> memref<1x2560x125xi32, #tpu.memory_space<hbm>>
      %dma_wait3A_31 = tpu.memref_squeeze %dma_wait3A_30 : memref<1x2560x125xi32, #tpu.memory_space<hbm>> -> memref<2560x125xi32, #tpu.memory_space<hbm>>
      %dma_wait3A_32 = arith.constant 0 : i32
      %dma_wait3A_33 = tpu.memref_slice %dma_wait3A_31[%mul3A_4, %dma_wait3A_32] : memref<2560x125xi32, #tpu.memory_space<hbm>> -> memref<80x125xi32, #tpu.memory_space<hbm>>
      tpu.wait_dma2 semaphore(%run_scoped3A_11 : memref<!tpu.dma_semaphore, #tpu.memory_space<semaphore_mem>>) src(%dma_wait3A_33 : memref<80x125xi32, #tpu.memory_space<hbm>>) dst(%arg7 : memref<80x125xi32, #tpu.memory_space<vmem>>)
      tpu.yield
    }) : () -> ()
    %barrier3A = arith.constant 0 : index
    tpu.barrier barrier_id(%barrier3A)
    %scan3A = arith.constant 0 : i32
    %scan3A_6 = arith.constant 80 : i32
    %scan3A_7 = arith.addi %scan3A, %scan3A_6 : i32
    %scan3A_8 = arith.constant 1 : i32
    scf.for %scan3A_11 = %scan3A to %scan3A_7 step %scan3A_8  : i32 {
      %mul3A_12 = arith.constant 1 : i32
      %mul3A_13 = arith.muli %scan3A_11, %mul3A_12 : i32
      %add3A_14 = arith.constant 0 : i32
      %add3A_15 = arith.addi %add3A_14, %mul3A_13 : i32
      %dma_start3A = arith.constant 0 : i32
      %dma_start3A_16 = tpu.memref_slice %arg6[%add3A_15, %dma_start3A] : memref<80x125xi32, #tpu.memory_space<vmem>> -> memref<1x125xi32, #tpu.memory_space<vmem>>
      %dma_start3A_17 = tpu.memref_squeeze %dma_start3A_16 : memref<1x125xi32, #tpu.memory_space<vmem>> -> memref<125xi32, #tpu.memory_space<vmem>>
      %dma_start3A_18 = arith.constant 0 : i32
      %dma_start3A_19 = arith.constant 0 : i32
      %dma_start3A_20 = tpu.memref_slice %arg2[%dma_start3A_18, %dma_start3A_19] : memref<10000x128xf32, #tpu.memory_space<hbm>> -> memref<10000x128xf32, #tpu.memory_space<hbm>>
      tpu.enqueue_indirect_dma source(%dma_start3A_20 : memref<10000x128xf32, #tpu.memory_space<hbm>>) target(%arg8 : memref<125x128xf32, #tpu.memory_space<vmem>>) offsets(%dma_start3A_17 : memref<125xi32, #tpu.memory_space<vmem>>) semaphore(%arg10 : memref<!tpu.dma_semaphore, #tpu.memory_space<semaphore_mem>>)
      %dma_wait3A = arith.constant 0 : i32
      %dma_wait3A_21 = tpu.memref_slice %arg6[%add3A_15, %dma_wait3A] : memref<80x125xi32, #tpu.memory_space<vmem>> -> memref<1x125xi32, #tpu.memory_space<vmem>>
      %dma_wait3A_22 = tpu.memref_squeeze %dma_wait3A_21 : memref<1x125xi32, #tpu.memory_space<vmem>> -> memref<125xi32, #tpu.memory_space<vmem>>
      %dma_wait3A_23 = arith.constant 0 : i32
      %dma_wait3A_24 = arith.constant 0 : i32
      %dma_wait3A_25 = tpu.memref_slice %arg2[%dma_wait3A_23, %dma_wait3A_24] : memref<10000x128xf32, #tpu.memory_space<hbm>> -> memref<10000x128xf32, #tpu.memory_space<hbm>>
      tpu.wait_indirect_dma semaphore(%arg10 : memref<!tpu.dma_semaphore, #tpu.memory_space<semaphore_mem>>) src(%dma_wait3A_25 : memref<10000x128xf32, #tpu.memory_space<hbm>>) dst(%arg8 : memref<125x128xf32, #tpu.memory_space<vmem>>)
      "tpu.region"() ({
        %run_scoped3A_26 = tpu.sem_alloc : memref<!tpu.dma_semaphore, #tpu.memory_space<semaphore_mem>>
        %dma_start3A_27 = arith.constant 0 : i32
        %dma_start3A_28 = tpu.memref_slice %arg7[%add3A_15, %dma_start3A_27] : memref<80x125xi32, #tpu.memory_space<vmem>> -> memref<1x125xi32, #tpu.memory_space<vmem>>
        %dma_start3A_29 = tpu.memref_squeeze %dma_start3A_28 : memref<1x125xi32, #tpu.memory_space<vmem>> -> memref<125xi32, #tpu.memory_space<vmem>>
        %dma_start3A_30 = arith.constant 0 : i32
        %dma_start3A_31 = arith.constant 0 : i32
        %dma_start3A_32 = tpu.memref_slice %arg9[%dma_start3A_30, %dma_start3A_31] : memref<10240x128xf32, #tpu.memory_space<vmem_shared>> -> memref<10240x128xf32, #tpu.memory_space<vmem_shared>>
        tpu.enqueue_indirect_dma source(%arg8 : memref<125x128xf32, #tpu.memory_space<vmem>>) target(%dma_start3A_32 : memref<10240x128xf32, #tpu.memory_space<vmem_shared>>) offsets(%dma_start3A_29 : memref<125xi32, #tpu.memory_space<vmem>>) semaphore(%run_scoped3A_26 : memref<!tpu.dma_semaphore, #tpu.memory_space<semaphore_mem>>) {add = true}
        %dma_wait3A_33 = arith.constant 0 : i32
        %dma_wait3A_34 = tpu.memref_slice %arg7[%add3A_15, %dma_wait3A_33] : memref<80x125xi32, #tpu.memory_space<vmem>> -> memref<1x125xi32, #tpu.memory_space<vmem>>
        %dma_wait3A_35 = tpu.memref_squeeze %dma_wait3A_34 : memref<1x125xi32, #tpu.memory_space<vmem>> -> memref<125xi32, #tpu.memory_space<vmem>>
        %dma_wait3A_36 = arith.constant 0 : i32
        %dma_wait3A_37 = arith.constant 0 : i32
        %dma_wait3A_38 = tpu.memref_slice %arg9[%dma_wait3A_36, %dma_wait3A_37] : memref<10240x128xf32, #tpu.memory_space<vmem_shared>> -> memref<10240x128xf32, #tpu.memory_space<vmem_shared>>
        tpu.wait_indirect_dma semaphore(%run_scoped3A_26 : memref<!tpu.dma_semaphore, #tpu.memory_space<semaphore_mem>>) src(%arg8 : memref<125x128xf32, #tpu.memory_space<vmem>>) dst(%dma_wait3A_38 : memref<10240x128xf32, #tpu.memory_space<vmem_shared>>)
        tpu.yield
      }) : () -> ()
    }
    %scan3A_9 = arith.constant 80 : i32
    %barrier3A_10 = arith.constant 0 : index
    tpu.barrier barrier_id(%barrier3A_10)
    "tpu.region"() ({
      %run_scoped3A_11 = tpu.sem_alloc : memref<!tpu.dma_semaphore, #tpu.memory_space<semaphore_mem>>
      %dma_start3A = arith.constant 0 : i32
      %dma_start3A_12 = arith.constant 0 : i32
      %dma_start3A_13 = tpu.memref_slice %arg5[%arg0, %dma_start3A, %dma_start3A_12] : memref<2x10240x128xf32, #tpu.memory_space<hbm>> -> memref<1x10240x128xf32, #tpu.memory_space<hbm>>
      %dma_start3A_14 = tpu.memref_squeeze %dma_start3A_13 : memref<1x10240x128xf32, #tpu.memory_space<hbm>> -> memref<10240x128xf32, #tpu.memory_space<hbm>>
      %dma_start3A_15 = arith.constant 0 : i32
      %dma_start3A_16 = tpu.memref_slice %dma_start3A_14[%mul3A_0, %dma_start3A_15] : memref<10240x128xf32, #tpu.memory_space<hbm>> -> memref<640x128xf32, #tpu.memory_space<hbm>>
      %dma_start3A_17 = arith.constant 0 : i32
      %dma_start3A_18 = tpu.memref_slice %arg9[%mul3A_0, %dma_start3A_17] : memref<10240x128xf32, #tpu.memory_space<vmem_shared>> -> memref<640x128xf32, #tpu.memory_space<vmem_shared>>
      tpu.enqueue_dma source(%dma_start3A_18 : memref<640x128xf32, #tpu.memory_space<vmem_shared>>) target(%dma_start3A_16 : memref<640x128xf32, #tpu.memory_space<hbm>>) target_semaphore(%run_scoped3A_11 : memref<!tpu.dma_semaphore, #tpu.memory_space<semaphore_mem>>)
      %dma_wait3A = arith.constant 0 : i32
      %dma_wait3A_19 = arith.constant 0 : i32
      %dma_wait3A_20 = tpu.memref_slice %arg5[%arg0, %dma_wait3A, %dma_wait3A_19] : memref<2x10240x128xf32, #tpu.memory_space<hbm>> -> memref<1x10240x128xf32, #tpu.memory_space<hbm>>
      %dma_wait3A_21 = tpu.memref_squeeze %dma_wait3A_20 : memref<1x10240x128xf32, #tpu.memory_space<hbm>> -> memref<10240x128xf32, #tpu.memory_space<hbm>>
      %dma_wait3A_22 = arith.constant 0 : i32
      %dma_wait3A_23 = tpu.memref_slice %dma_wait3A_21[%mul3A_0, %dma_wait3A_22] : memref<10240x128xf32, #tpu.memory_space<hbm>> -> memref<640x128xf32, #tpu.memory_space<hbm>>
      %dma_wait3A_24 = arith.constant 0 : i32
      %dma_wait3A_25 = tpu.memref_slice %arg9[%mul3A_0, %dma_wait3A_24] : memref<10240x128xf32, #tpu.memory_space<vmem_shared>> -> memref<640x128xf32, #tpu.memory_space<vmem_shared>>
      tpu.wait_dma2 semaphore(%run_scoped3A_11 : memref<!tpu.dma_semaphore, #tpu.memory_space<semaphore_mem>>) src(%dma_wait3A_25 : memref<640x128xf32, #tpu.memory_space<vmem_shared>>) dst(%dma_wait3A_23 : memref<640x128xf32, #tpu.memory_space<hbm>>)
      tpu.yield
    }) : () -> ()
    return
  }
}

module attributes {stable_mosaic.version = 14 : i64} {
  func.func @_sg_mm_body(%arg0: i32, %arg1: memref<2x1000x128xf32, #tpu.memory_space<vmem>>, %arg2: memref<1000x128xf32, #tpu.memory_space<vmem>>, %arg3: memref<1000x1xf32, #tpu.memory_space<vmem>>, %arg4: memref<128x128xf32, #tpu.memory_space<vmem>>, %arg5: memref<1000x128xf32, #tpu.memory_space<vmem>>) attributes {dimension_semantics = [#tpu.dimension_semantics<arbitrary>], iteration_bounds = array<i64: 10>, scalar_prefetch = 0 : i64, scratch_operands = 0 : i64, tpu.core_type = #tpu.core_type<tc>, window_params = [{transform_indices = @transform_0, window_bounds = array<i64: 2, 1000, 128>}, {transform_indices = @transform_1, window_bounds = array<i64: 1000, 128>}, {transform_indices = @transform_2, window_bounds = array<i64: 1000, 1>}, {pipeline_mode = #tpu.pipeline_mode<synchronous>, transform_indices = @transform_3, window_bounds = array<i64: 128, 128>}, {transform_indices = @transform_4, window_bounds = array<i64: 1000, 128>}]} {
    %get3A = arith.constant 0 : index
    %get3A_0 = arith.constant 0 : index
    %get3A_1 = arith.constant 0 : index
    %get3A_2 = vector.load %arg1[%get3A, %get3A_0, %get3A_1] : memref<2x1000x128xf32, #tpu.memory_space<vmem>>, vector<1x1000x128xf32>
    %get3A_3 = vector.shape_cast %get3A_2 : vector<1x1000x128xf32> to vector<1000x128xf32>
    %get3A_4 = arith.constant 1 : index
    %get3A_5 = arith.constant 0 : index
    %get3A_6 = arith.constant 0 : index
    %get3A_7 = vector.load %arg1[%get3A_4, %get3A_5, %get3A_6] : memref<2x1000x128xf32, #tpu.memory_space<vmem>>, vector<1x1000x128xf32>
    %get3A_8 = vector.shape_cast %get3A_7 : vector<1x1000x128xf32> to vector<1000x128xf32>
    %add3A = arith.addf %get3A_3, %get3A_8 : vector<1000x128xf32>
    %get3A_9 = arith.constant 0 : index
    %get3A_10 = arith.constant 0 : index
    %get3A_11 = vector.load %arg2[%get3A_9, %get3A_10] : memref<1000x128xf32, #tpu.memory_space<vmem>>, vector<1000x128xf32>
    %add3A_12 = arith.addf %add3A, %get3A_11 : vector<1000x128xf32>
    %get3A_13 = arith.constant 0 : index
    %get3A_14 = arith.constant 0 : index
    %get3A_15 = vector.load %arg4[%get3A_13, %get3A_14] : memref<128x128xf32, #tpu.memory_space<vmem>>, vector<128x128xf32>
    %dot_general3A = arith.constant dense<0.000000e+00> : vector<1000x128xf32>
    %dot_general3A_16 = tpu.matmul %add3A_12, %get3A_15, %dot_general3A {dimension_numbers = #tpu.dot_dimension_numbers<[1], [0], [0], [1], [0, 0, 1, 1], [], []>, transpose_lhs_hint = false} : vector<1000x128xf32>, vector<128x128xf32>, vector<1000x128xf32> -> vector<1000x128xf32>
    %get3A_17 = arith.constant 0 : index
    %get3A_18 = arith.constant 0 : index
    %get3A_19 = vector.load %arg3[%get3A_17, %get3A_18] : memref<1000x1xf32, #tpu.memory_space<vmem>>, vector<1000x1xf32>
    %mul3A = vector.broadcast %get3A_19 : vector<1000x1xf32> to vector<1000x128xf32>
    %mul3A_20 = arith.mulf %dot_general3A_16, %mul3A : vector<1000x128xf32>
    %swap3A = arith.constant 0 : index
    %swap3A_21 = arith.constant 0 : index
    %swap3A_22 = vector.load %arg5[%swap3A, %swap3A_21] : memref<1000x128xf32, #tpu.memory_space<vmem>>, vector<1000x128xf32>
    tpu.vector_store %arg5[%swap3A, %swap3A_21], %mul3A_20 {strides = array<i32>} : memref<1000x128xf32, #tpu.memory_space<vmem>>, vector<1000x128xf32>,
    return
  }
  func.func @transform_0(%arg0: i32) -> (i32, i32, i32) {
    %c0_i32 = arith.constant 0 : i32
    %c0_i32_0 = arith.constant 0 : i32
    %c0_i32_1 = arith.constant 0 : i32
    return %c0_i32, %arg0, %c0_i32_0 : i32, i32, i32
  }
  func.func @transform_1(%arg0: i32) -> (i32, i32) {
    %c0_i32 = arith.constant 0 : i32
    %c0_i32_0 = arith.constant 0 : i32
    return %arg0, %c0_i32 : i32, i32
  }
  func.func @transform_2(%arg0: i32) -> (i32, i32) {
    %c0_i32 = arith.constant 0 : i32
    %c0_i32_0 = arith.constant 0 : i32
    return %arg0, %c0_i32 : i32, i32
  }
  func.func @transform_3(%arg0: i32) -> (i32, i32) {
    %c0_i32 = arith.constant 0 : i32
    %c0_i32_0 = arith.constant 0 : i32
    %c0_i32_1 = arith.constant 0 : i32
    return %c0_i32, %c0_i32_0 : i32, i32
  }
  func.func @transform_4(%arg0: i32) -> (i32, i32) {
    %c0_i32 = arith.constant 0 : i32
    %c0_i32_0 = arith.constant 0 : i32
    return %arg0, %c0_i32 : i32, i32
  }
}

module attributes {stable_mosaic.version = 14 : i64} {
  func.func @_head_body(%arg0: i32, %arg1: memref<1000x128xf32, #tpu.memory_space<vmem>>, %arg2: memref<128x64xf32, #tpu.memory_space<vmem>>, %arg3: memref<1x64xf32, #tpu.memory_space<vmem>>, %arg4: memref<1000x64xf32, #tpu.memory_space<vmem>>, %arg5: memref<1000x128xf32, #tpu.memory_space<vmem>>) attributes {dimension_semantics = [#tpu.dimension_semantics<arbitrary>], iteration_bounds = array<i64: 10>, scalar_prefetch = 0 : i64, scratch_operands = 0 : i64, tpu.core_type = #tpu.core_type<tc>, window_params = [{transform_indices = @transform_0, window_bounds = array<i64: 1000, 128>}, {pipeline_mode = #tpu.pipeline_mode<synchronous>, transform_indices = @transform_1, window_bounds = array<i64: 128, 64>}, {pipeline_mode = #tpu.pipeline_mode<synchronous>, transform_indices = @transform_2, window_bounds = array<i64: 1, 64>}, {transform_indices = @transform_3, window_bounds = array<i64: 1000, 64>}, {transform_indices = @transform_4, window_bounds = array<i64: 1000, 128>}]} {
    %get3A = arith.constant 0 : index
    %get3A_0 = arith.constant 0 : index
    %get3A_1 = vector.load %arg1[%get3A, %get3A_0] : memref<1000x128xf32, #tpu.memory_space<vmem>>, vector<1000x128xf32>
    %mul3A = arith.mulf %get3A_1, %get3A_1 : vector<1000x128xf32>
    %reduce_sum3A = arith.constant dense<0.000000e+00> : vector<1000xf32>
    %reduce_sum3A_2 = vector.multi_reduction <add>, %mul3A, %reduce_sum3A [1] : vector<1000x128xf32> to vector<1000xf32>
    %broadcast_in_dim3A = vector.shape_cast %reduce_sum3A_2 : vector<1000xf32> to vector<1000x1xf32>
    %max3A = arith.constant 1.000000e-24 : f32
    %max3A_3 = vector.broadcast %max3A : f32 to vector<1000x1xf32>
    %max3A_4 = arith.maximumf %broadcast_in_dim3A, %max3A_3 : vector<1000x1xf32>
    %rsqrt3A = math.rsqrt %max3A_4 : vector<1000x1xf32>
    %mul3A_5 = vector.broadcast %rsqrt3A : vector<1000x1xf32> to vector<1000x128xf32>
    %mul3A_6 = arith.mulf %get3A_1, %mul3A_5 : vector<1000x128xf32>
    %swap3A = arith.constant 0 : index
    %swap3A_7 = arith.constant 0 : index
    %swap3A_8 = vector.load %arg5[%swap3A, %swap3A_7] : memref<1000x128xf32, #tpu.memory_space<vmem>>, vector<1000x128xf32>
    tpu.vector_store %arg5[%swap3A, %swap3A_7], %mul3A_6 {strides = array<i32>} : memref<1000x128xf32, #tpu.memory_space<vmem>>, vector<1000x128xf32>,
    %get3A_9 = arith.constant 0 : index
    %get3A_10 = arith.constant 0 : index
    %get3A_11 = vector.load %arg2[%get3A_9, %get3A_10] : memref<128x64xf32, #tpu.memory_space<vmem>>, vector<128x64xf32>
    %dot_general3A = arith.constant dense<0.000000e+00> : vector<1000x64xf32>
    %dot_general3A_12 = tpu.matmul %mul3A_6, %get3A_11, %dot_general3A {dimension_numbers = #tpu.dot_dimension_numbers<[1], [0], [0], [1], [0, 0, 1, 1], [], []>, transpose_lhs_hint = false} : vector<1000x128xf32>, vector<128x64xf32>, vector<1000x64xf32> -> vector<1000x64xf32>
    %get3A_13 = arith.constant 0 : index
    %get3A_14 = arith.constant 0 : index
    %get3A_15 = vector.load %arg3[%get3A_13, %get3A_14] : memref<1x64xf32, #tpu.memory_space<vmem>>, vector<1x64xf32>
    %add3A = vector.broadcast %get3A_15 : vector<1x64xf32> to vector<1000x64xf32>
    %add3A_16 = arith.addf %dot_general3A_12, %add3A : vector<1000x64xf32>
    %swap3A_17 = arith.constant 0 : index
    %swap3A_18 = arith.constant 0 : index
    %swap3A_19 = vector.load %arg4[%swap3A_17, %swap3A_18] : memref<1000x64xf32, #tpu.memory_space<vmem>>, vector<1000x64xf32>
    tpu.vector_store %arg4[%swap3A_17, %swap3A_18], %add3A_16 {strides = array<i32>} : memref<1000x64xf32, #tpu.memory_space<vmem>>, vector<1000x64xf32>,
    return
  }
  func.func @transform_0(%arg0: i32) -> (i32, i32) {
    %c0_i32 = arith.constant 0 : i32
    %c0_i32_0 = arith.constant 0 : i32
    return %arg0, %c0_i32 : i32, i32
  }
  func.func @transform_1(%arg0: i32) -> (i32, i32) {
    %c0_i32 = arith.constant 0 : i32
    %c0_i32_0 = arith.constant 0 : i32
    %c0_i32_1 = arith.constant 0 : i32
    return %c0_i32, %c0_i32_0 : i32, i32
  }
  func.func @transform_2(%arg0: i32) -> (i32, i32) {
    %c0_i32 = arith.constant 0 : i32
    %c0_i32_0 = arith.constant 0 : i32
    %c0_i32_1 = arith.constant 0 : i32
    return %c0_i32, %c0_i32_0 : i32, i32
  }
  func.func @transform_3(%arg0: i32) -> (i32, i32) {
    %c0_i32 = arith.constant 0 : i32
    %c0_i32_0 = arith.constant 0 : i32
    return %arg0, %c0_i32 : i32, i32
  }
  func.func @transform_4(%arg0: i32) -> (i32, i32) {
    %c0_i32 = arith.constant 0 : i32
    %c0_i32_0 = arith.constant 0 : i32
    return %arg0, %c0_i32 : i32, i32
  }
}

</mosaic_0001>

<sc_bundles>
// kernel: gather_offload_async_start
scs
__scs_entry_jumppad:
0x0: {  	(pc) =	sbr.rel $0x88, $3  }
0x1: {  	(tag) =	ssettag $0x0;
	lr =	simm.s32 $0x1  }
0x2: {  	[smem:$0x3F9C] =	sst lr;
	_ =	strace $0xD0000000  }
0x3: {  	_ = 	snop  }
0x4: {  	_ = 	snop  }
0x5: {  	_ = 	snop  }
0x6: {  	_ = 	snop  }
0x7: {  	_ = 	snop  }
__scs_overlays_trampoline_lowered:
0x8: {  	[smem:$0x3FAB] =	sst s0  }
0x9: {  	[smem:$0x3FAC] =	sst s1  }
0xa: {  	[smem:$0x3FAD] =	sst s2  }
0xb: {  	[smem:$0x3FAE] =	sst s3  }
0xc: {  	[smem:$0x3FAF] =	sst s4  }
0xd: {  	[smem:$0x3FB0] =	sst s5  }
0xe: {  	[smem:$0x3FB1] =	sst s6  }
0xf: {  	[smem:$0x3FB2] =	sst s7  }
0x10: {  	[smem:$0x3FB3] =	sst s8  }
0x11: {  	[smem:$0x3FB4] =	sst s9;
	s0 =	simm.s32 @!p0 $0x0  }
0x12: {  	s1 =	sld [smem:$0x3F9A];
	s0 =	simm.s32 @p0 $0x1  }
0x13: {  	[smem:$0x3FB5] =	sst s0;
	s0 =	simm.s32 @!p1 $0x0  }
0x14: {  	s2 =	sld [smem:$0x3F99];
	s0 =	simm.s32 @p1 $0x1  }
0x15: {  	[smem:$0x3FB6] =	sst s0;
	s0 =	simm.s32 @!p2 $0x0  }
0x16: {  	s3 =	sld [smem:$0x3FDB];
	s0 =	simm.s32 @p2 $0x1  }
0x17: {  	s4 =	simm.s32 $0x1BF5;
	[smem:$0x3FB8] =	sst s0  }
0x18: {  	s0 =	sld [smem:$0x3F9B];
	_ =	swait.ge [sflag:s4], $0x0  }
0x19: {  	s7 =	sld [smem:$0x3F9C]  }
0x1a: {  	s8 =	sadd.s32 $0xFFFFE003, lr  }
0x1b: {  	s9 =	sadd.s32 $0xFFFFFEF7, lr;
	s5 =	simm.s32 $0xFFFFFFFF;
	p2 =	slt.u32 s8, $0xFFFFF086  }
0x1c: {  	p1 =	slt.u32 s9, $0xF7A;
	s5 =	simm.s32 @!p2 $0x0  }
0x1d: {  	s5 =	simm.s32 @p1 $0x1;
	p0 =	seq.s32 s7, s2  }
0x1e: {  	s7 =	smul.u32 @!p0 $0xF7A, s2;
	p2 =	seq.s32 @!p0 s5, $0x0  }
0x1f: {  	s9 =	smul.u32 $0xF7A, s1;
	s8 =	simm.s32 @!p0 $0x1BF5;
	p2 =	por !p2, p0  }
0x20: {  	[sflag:s8] =	ssyncset.s32 @!p0 $0xFFFFF086;
	s6 =	sadd.s32 @!p0 s3, s7;
	s7 =	simm.s32 @!p0 $0x108  }
0x21: {  	s3 =	sadd.s32 s3, s9;
	s6 =	sadd.s32 @!p0 $0x88, s6;
	s7 =	simm.s32 @p2 $0x1082  }
0x22: {  	[simem:s7], [sflag:s8] =	dma.local @!p0 [hbm:s6], $0xF7A  }
0x23: {  	s9 =	sor.u32 $0xD0000000, s2;
	s6 =	simm.s32 $0x108;
	_ =	swait.ge @!p0 [sflag:s8], $0x0  }
0x24: {  	s3 =	sadd.s32 $0x88, s3;
	s6 =	simm.s32 @!p1 $0x1082;
	[sflag:s4] =	ssyncset.s32 $0xFFFFF086  }
0x25: {  	[simem:s6], [sflag:s4] =	dma.local [hbm:s3], $0xF7A  }
0x26: {  	[smem:$0x3F9C] =	sst s1;
	(tag) =	ssettag s2;
	_ =	strace s9  }
0x27: {  	s1 =	sld [smem:$0x3FAC]  }
0x28: {  	s2 =	sld [smem:$0x3FAD]  }
0x29: {  	s4 =	sld [smem:$0x3FAF]  }
0x2a: {  	p0 =	seq.s32 s5, $0x0;
	s5 =	sld [smem:$0x3FB0]  }
0x2b: {  	s6 =	sld [smem:$0x3FB1]  }
0x2c: {  	s7 =	sld [smem:$0x3FB2]  }
0x2d: {  	s3 =	simm.s32 $0x108;
	s8 =	sld [smem:$0x3FB3]  }
0x2e: {  	s3 =	simm.s32 @!p0 $0x1082;
	s9 =	sld [smem:$0x3FB4]  }
0x2f: {  	lr =	sadd.s32 s0, s3;
	s0 =	sld [smem:$0x3FAB]  }
0x30: {  	s3 =	sld [smem:$0x3FAE]  }
0x31: {  	[smem:$0x3FB7] =	sst s10  }
0x32: {  	s10 =	sld [smem:$0x3FB5];
	_ =	sdelay $0x3  }
0x33: {  	p0 =	seq.s32 s10, $0x1;
	s10 =	sld [smem:$0x3FB7];
	_ =	sdelay $0x3  }
0x34: {  	[smem:$0x3FB7] =	sst s10  }
0x35: {  	s10 =	sld [smem:$0x3FB6];
	_ =	sdelay $0x3  }
0x36: {  	p1 =	seq.s32 s10, $0x1;
	s10 =	sld [smem:$0x3FB7];
	_ =	sdelay $0x3  }
0x37: {  	[smem:$0x3FB7] =	sst s10  }
0x38: {  	s10 =	sld [smem:$0x3FB8]  }
0x39: {  	_ = 	snop;
	(pc) =	sbr.ind lr, $3  }
0x3a: {  	_ = 	snop  }
0x3b: {  	_ = 	snop  }
0x3c: {  	p2 =	seq.s32 s10, $0x1;
	s10 =	sld [smem:$0x3FB7]  }
0x3d: {  	_ =	shalt  }
0x3e: {  	_ =	shalt  }
0x3f: {  	_ =	shalt  }
0x40: {  	_ =	shalt  }
0x41: {  	_ =	shalt  }
0x42: {  	_ =	shalt  }
0x43: {  	_ =	shalt  }
0x44: {  	_ =	shalt  }
0x45: {  	_ =	shalt  }
0x46: {  	_ =	shalt  }
0x47: {  	_ =	shalt  }
0x48: {  	_ =	shalt  }
0x49: {  	_ =	shalt  }
0x4a: {  	_ =	shalt  }
0x4b: {  	_ =	shalt  }
0x4c: {  	_ =	shalt  }
0x4d: {  	_ =	shalt  }
0x4e: {  	_ =	shalt  }
0x4f: {  	_ =	shalt  }
0x50: {  	_ =	shalt  }
0x51: {  	_ =	shalt  }
0x52: {  	_ =	shalt  }
0x53: {  	_ =	shalt  }
0x54: {  	_ =	shalt  }
0x55: {  	_ =	shalt  }
0x56: {  	_ =	shalt  }
0x57: {  	_ =	shalt  }
0x58: {  	_ =	shalt  }
0x59: {  	_ =	shalt  }
0x5a: {  	_ =	shalt  }
0x5b: {  	_ =	shalt  }
0x5c: {  	_ =	shalt  }
0x5d: {  	_ =	shalt  }
0x5e: {  	_ =	shalt  }
0x5f: {  	_ =	shalt  }
0x60: {  	_ =	shalt  }
0x61: {  	_ =	shalt  }
0x62: {  	_ =	shalt  }
0x63: {  	_ =	shalt  }
0x64: {  	_ =	shalt  }
0x65: {  	_ =	shalt  }
0x66: {  	_ =	shalt  }
0x67: {  	_ =	shalt  }
0x68: {  	_ =	shalt  }
0x69: {  	_ =	shalt  }
0x6a: {  	_ =	shalt  }
0x6b: {  	_ =	shalt  }
0x6c: {  	_ =	shalt  }
0x6d: {  	_ =	shalt  }
0x6e: {  	_ =	shalt  }
0x6f: {  	_ =	shalt  }
0x70: {  	_ =	shalt  }
0x71: {  	_ =	shalt  }
0x72: {  	_ =	shalt  }
0x73: {  	_ =	shalt  }
0x74: {  	_ =	shalt  }
0x75: {  	_ =	shalt  }
0x76: {  	_ =	shalt  }
0x77: {  	_ =	shalt  }
0x78: {  	_ =	shalt  }
0x79: {  	_ =	shalt  }
0x7a: {  	_ =	shalt  }
0x7b: {  	_ =	shalt  }
0x7c: {  	_ =	shalt  }
0x7d: {  	_ =	shalt  }
0x7e: {  	_ =	shalt  }
0x7f: {  	_ =	shalt  }
0x80: {  	_ =	shalt  }
0x81: {  	_ =	shalt  }
0x82: {  	_ =	shalt  }
0x83: {  	_ =	shalt  }
0x84: {  	_ =	shalt  }
0x85: {  	_ =	shalt  }
0x86: {  	_ =	shalt  }
0x87: {  	_ =	shalt  }
.Lfunc_end0:
.L_simem_size_0:
called_computation_lowered:
.L_overlay_start_0:
0x88: {  	s0 =	sld [smem:$0x3FD9]  }
0x89: {  	s1 =	sld [smem:$0x3FFE];
	_ =	sdelay $0x3  }
0x8a: {  	s0 =	sadd.s32 s1, s0  }
0x8b: {  	[smem:$0x3FC3] =	sst s0  }
0x8c: {  	_ = 	snop  }
0x8d: {  	s0 =	sld [smem:$0x3FD0];
	_ =	sdelay $0x2  }
0x8e: {  	s13 =	simm.s32 $0xA;
	s2 =	simm.s32 $0x10  }
0x8f: {  	[smem:s2], [sflag:s13] =	dma.local [hbm:s0], $0x1  }
0x90: {  	_ =	swait.eq [sflag:s13], $0x1  }
0x91: {  	[sflag:s13] =	ssyncset.done $0x0  }
0x92: {  	[sflag:s13] =	ssyncadd.s32 $0xFFFFFFFF  }
0x93: {  	s14 =	sld [smem:$0x11];
	(tm) =	ssettm $0x1  }
0x94: {  	s15 =	sld [smem:$0x3FFB];
	_ =	sdelay $0x3  }
0x95: {  	_ =	strace s15  }
0x96: {  	s1 =	sld [smem:$0x3FFC];
	_ =	sdelay $0x3  }
0x97: {  	_ =	strace s1  }
0x98: {  	s1 =	sld [smem:$0x3FFD];
	_ =	sdelay $0x3  }
0x99: {  	_ =	strace s1  }
0x9a: {  	_ =	strace $0x8FFFFFFF  }
0x9b: {  	s16 =	sld [smem:$0x3FDB];
	_ =	sdelay $0x1  }
0x9c: {  	s17 =	simm.s32 $_scs_section_size  }
0x9d: {  	s3 =	simm.s32 $_size__tile_overlayer_lowered;
	s4 =	simm.s32 $_tile_overlayer_lowered  }
0x9e: {  	s20 =	simm.s32 $0x1BFF;
	s19 =	sshll.u32 s4, $0x1;
	s1 =	sadd.s32 s17, s16  }
0x9f: {  	s5 =	simm.s32 $0x0;
	s18 =	sshll.u32 s3, $0x1;
	s3 =	sadd.s32 s19, s1  }
0xa0: {  	[timem:s5], [sflag:s20] =	dma.local [hbm:s3], s18  }
0xa1: {  	_ =	swait.ge [sflag:s20], s18  }
0xa2: {  	s2 =	ssub.s32 $0x0, s18;
	[sflag:s20] =	ssyncset.done $0x0  }
0xa3: {  	[sflag:s20] =	ssyncadd.s32 s2;
	_ =	sdelay $0x1  }
0xa4: {  	s21 =	simm.s32 $0x1B8B  }
0xa5: {  	_ =	swait.ge [sflag:s21], $0x1  }
0xa6: {  	[sflag:s21] =	ssyncset.done $0x0  }
0xa7: {  	s23 =	simm.s32 $0x1B8E;
	s22 =	sld [smem:$0x3FFE];
	[sflag:s21] =	ssyncadd.s32 $0xFFFFFFFF  }
0xa8: {  	s24 =	simm.s32 $execute0_lowered;
	[smem:$0x3FD2] =	sst s23  }
0xa9: {  	s3 =	sshll.u32 s24, $0x1;
	_ =	strace $0x8000004C;
	[dreg:$0x1] =	wrdreg $0xFFFFFFFF  }
0xaa: {  	s25 =	simm.s32 $_size_execute0_lowered;
	s1 =	sadd.s32 s1, s3;
	[dreg:$0x0] =	wrdreg $0x0  }
0xab: {  	s3 =	sshll.u32 s25, $0x1;
	[dreg:$0x2] =	wrdreg s1  }
0xac: {  	[dreg:$0x3] =	wrdreg s3  }
0xad: {  	[dreg:$0x4] =	wrdreg $0xC0  }
0xae: {  	_ =	task [dreg:s5], $0x5FFFF  }
0xaf: {  	[dreg:$0x1] =	wrdreg $0xFFFFFFFF  }
0xb0: {  	[dreg:$0x0] =	wrdreg $0x60  }
0xb1: {  	[dreg:$0x2] =	wrdreg s14  }
0xb2: {  	[dreg:$0x3] =	wrdreg s22  }
0xb3: {  	[dreg:$0x4] =	wrdreg $0x9  }
0xb4: {  	_ =	task.clear_ibuf [dreg:s5], $0x5FFFF;
	_ =	strace $0x9000004C  }
0xb5: {  	s26 =	simm.s32 $0x9;
	_ =	strace $0x8000004E  }
0xb6: {  	_ =	swait.ge [sflag:s26], $0x1  }
0xb7: {  	[sflag:s26] =	ssyncadd.s32 $0xFFFFFFFF  }
0xb8: {  	_ =	strace $0x9000004E  }
0xb9: {  	_ =	sfence  }
0xba: {  	s28 =	sld [smem:$0x0];
	_ =	sdelay $0x1  }
0xbb: {  	s29 =	srdreg.scid  }
0xbc: {  	s30 =	sshll.u32 s29, $0xD;
	s31 =	sshrl.u32 s29, $0x2  }
0xbd: {  	s2 =	sand.u32 $0x4000, s30;
	s1 =	sand.u32 $0x1, s29;
	s0 =	sadd.s32 s31, s28  }
0xbe: {  	s1 =	sor.u32 s2, s1;
	s0 =	sshll.u32 s0, $0x11  }
0xbf: {  	s0 =	sor.u32 s0, s1  }
0xc0: {  	s0 =	sadd.s32 $0x8F2B, s0  }
0xc1: {  	[sflag:s0] =	ssyncadd.remote.s32 $0x1  }
0xc2: {  	_ =	sfence.sel $0xFFFF  }
0xc3: {  	[dreg:$0x0] =	wrdreg $0xFFFFFFFF;
	(pc) =	sbr.abs _section_cstart, $3  }
0xc4: {  	[dreg:$0x1] =	wrdreg $0xFFFFFFFF  }
0xc5: {  	_ =	task.clear_ibuf [dreg:s5], $0x2FFFF;
	_ =	strace $0x9FFFFFFF  }
0xc6: {  	(tm) =	ssettm $0x7FFFFFFF  }
0xc7: {  	_ =	shalt  }
tec
execute0_lowered:
.L_overlay_start_1:
0x0: {  	(tag) =	ssettag $0x1  }
0x1: {  	s0 =	stileid.u32  }
0x2: {  	s1 =	smin.u32 s0, $0x9  }
0x3: {  	s1 =	sadd.s32 s0, s1  }
0x4: {  	s2 =	simm.s32 $0x320;
	p0 =	slt.u32 s0, $0x9;
	s1 =	smul.u32 $0x190, s1  }
0x5: {  	s2 =	simm.s32 @!p0 $0x190  }
0x6: {  	s2 =	sadd.s32 s2, s1  }
0x7: {  	s3 =	smin.u32 s2, $0x2710  }
0x8: {  	s7 =	ssub.s32 s3, s1  }
0x9: {  	p0 =	sgt.s32 s7, $0x0  }
0xa: {  	s7 =	simm.s32 @!p0 $0x0  }
0xb: {  	s31 =	sand.u32 $0xFFF0, s7  }
0xc: {  	s2 =	sshrl.u32 s31, $0x4  }
0xd: {  	s4 =	rddreg [dreg:$0x0];
	s2 =	smul.u32 $0xA3E, s2  }
0xe: {  	s9 =	rddreg [dreg:$0x1];
	s6 =	simm.s32 $0x1  }
0xf: {  	s11 =	simm.s32 $0x3;
	s13 =	simm.s32 $0x0;
	s8 =	sshrl.u32 s2, $0x10  }
0x10: {  	s12 =	simm.s32 $0x0;
	s5 =	sadd.s32 $0x1200, s9;
	s10 =	smul.u32 $0x190, s8  }
.Ltmp0:
0x11: {  	s9 =	sadd.s32 $0x1800, s9;
	s2 =	rddreg [dreg:$0x2];
	(pc) =	sbr.rel .LBB2_1-.Ltmp0, $4  }
0x12: {  	_ =	strace $0x8000004D;
	p0 =	sne.s32 s7, s10;
	s10 =	simm.s32 $0x1  }
0x13: {  	[sflag:s6] =	ssyncpa.u1 $0x0;
	s7 =	simm.s32 $0x2;
	s10 =	simm.s32 @!p0 $0x0  }
0x14: {  	[sflag:s7] =	ssyncpa.u1 $0x0;
	p0 =	por $0x0, $0x0;
	s8 =	sadd.s32 s8, s10  }
0x15: {  	vm0 =	vmmov $0xff;
	vm1 =	vcmask $0x3F20;
	[sflag:s11] =	ssyncpa.u1 $0x0;
	s11 =	smov.u32 s1;
	s10 =	sadd.s32 $0x1, s8  }
.LBB2_6:
0x16: {  	[hbm:s17] =	stream.linear.scatter [tilespmem:s14], [sflag:$0x3], $0x400, $0x38;
	[tilespmem:$0x19320] =	vst v63  }
.LBB2_7:
0x17: {  	s13 =	sadd.s32 $0x190, s11  }
0x18: {  	s15 =	smov.u32 s1;
	p2 =	slt.s32 s13, s3  }
0x19: {  	s15 =	smov.u32 @p2 s13;
	p2 =	sne.s32 s12, s10  }
.Ltmp1:
0x1a: {  	p1 =	slt.u32 s12, $0x2;
	(pc) =	sbr.rel @!p2 .LBB2_8-.Ltmp1, $4  }
0x1b: {  	s14 =	simm.s32 @!p1 $0x3  }
0x1c: {  	s16 =	sadd.s32 $0x1, s12;
	_ =	swait.ge @!p1 [sflag:s14], $0xC800  }
0x1d: {  	p0 =	por !p0, !p0;
	s13 =	smov.u32 s11;
	[sflag:s14] =	ssyncset.done @!p1 $0x0  }
0x1e: {  	s12 =	smov.u32 s16;
	s11 =	smov.u32 s15;
	[sflag:s14] =	ssyncadd.s32 @!p1 $0xFFFF3800  }
.LBB2_1:
0x1f: {  	p1 =	sge.u32 s12, s8  }
0x20: {  	s14 =	sxor.u32 @!p1 $0xFFFFFFFF, s12  }
0x21: {  	s14 =	sand.u32 @!p1 $0x1, s14  }
0x22: {  	s14 =	smul.u32 @!p1 $0x640, s14  }
0x23: {  	s31 =	sadd.s32 $0xFFFFFFFF, s12;
	s15 =	sshrl.u32 @!p1 s11, $0x3  }
0x24: {  	s16 =	sand.u32 @!p1 $0x7, s11;
	s15 =	sadd.s32 @!p1 s5, s15;
	s14 =	sshrl.u32 @!p1 s14, $0x2  }
0x25: {  	[tilespmem:s14], [sflag:$0x2] =	stream.linear.gather @!p1 [hbm4b:s15+s16], $0x190, $0x38;
	[tilespmem:$0x19320] =	vst v63  }
0x26: {  	p1 =	sge.u32 s31, s8  }
.Ltmp2:
0x27: {  	_ = 	snop;
	(pc) =	sbr.rel @p1 .LBB2_7-.Ltmp2, $1  }
0x28: {  	_ =	sdelay $0x3  }
0x29: {  	s14 =	simm.s32 $0x1  }
0x2a: {  	s14 =	simm.s32 @!p0 $0x0  }
0x2b: {  	s15 =	smul.u32 $0x640, s14  }
0x2c: {  	_ =	swait.ge [sflag:s7], $0x190  }
0x2d: {  	[sflag:s7] =	ssyncset.done $0x0;
	s16 =	sshrl.u32 s15, $0x2  }
0x2e: {  	[sflag:s7] =	ssyncadd.s32 $0xFFFFFE70;
	s15 =	sadd.s32 $0x0, s16  }
0x2f: {  	v0 =	vld.msk [tilespmem:s15+$0x0 ss:$0x1], $0xffff;
	_ =	sdelay $0x4  }
0x30: {  	vm2 =	vgt.s32 v0, $0x0  }
0x31: {  	v0 =	vnsel vm2, $0x0, v0  }
0x32: {  	v0 =	vmin.u32 v0, $0x270F  }
0x33: {  	v0 =	vshll.u32 v0, $0x4  }
0x34: {  	s14 =	smul.u32 $0x32000, s14;
	_ =	sdelay $0x1  }
0x35: {  	s14 =	sshrl.u32 s14, $0x2  }
0x36: {  	s14 =	sor.u32 $0x320, s14  }
0x37: {  	[tilespmem:s14], [sflag:$0x1] =	stream.indirect_vreg.gather [hbm:s4], $0x80, v0, vm0, $0x38;
	[tilespmem:$0x19320] =	vst v63  }
0x38: {  	s17 =	sadd.s32 $0x10, s16;
	s15 =	sadd.s32 $0x400, s14  }
0x39: {  	[tilespmem:s15], [sflag:$0x1] =	stream.indirect_vreg.gather [hbm:s4], $0x80, v0, vm1, $0x38;
	[tilespmem:$0x19320] =	vst v63  }
0x3a: {  	s18 =	simm.s32 $0x80;
	v0 =	vld.msk [tilespmem:s17+$0x0 ss:$0x1], $0xffff;
	s17 =	smov.u32 s14  }
.LBB2_3:
0x3b: {  	p1 =	sne.s32 s18, $0x600;
	_ =	sdelay $0x4  }
0x3c: {  	vm2 =	vgt.s32 v0, $0x0  }
0x3d: {  	v0 =	vnsel vm2, $0x0, v0  }
0x3e: {  	v0 =	vmin.u32 v0, $0x270F  }
0x3f: {  	v0 =	vshll.u32 v0, $0x4;
	_ =	sdelay $0x3  }
.Ltmp3:
0x40: {  	s19 =	sshra.s32 s18, $0x2;
	s17 =	sadd.s32 $0x800, s17;
	(pc) =	sbr.rel @p1 .LBB2_3-.Ltmp3, $4  }
0x41: {  	[tilespmem:s17], [sflag:$0x1] =	stream.indirect_vreg.gather [hbm:s4], $0x80, v0, vm0, $0x38;
	[tilespmem:$0x19320] =	vst v63  }
0x42: {  	s19 =	sadd.s32 s19, s16;
	s20 =	sadd.s32 $0x400, s17  }
0x43: {  	[tilespmem:s20], [sflag:$0x1] =	stream.indirect_vreg.gather [hbm:s4], $0x80, v0, vm1, $0x38;
	[tilespmem:$0x19320] =	vst v63  }
0x44: {  	s18 =	sadd.s32 $0x40, s18;
	v0 =	vld.msk [tilespmem:s19+$0x0 ss:$0x1], $0xffff  }
0x45: {  	_ =	sdelay $0x3  }
0x46: {  	vm2 =	vgt.s32 v0, $0x0  }
0x47: {  	v0 =	vnsel vm2, $0x0, v0  }
0x48: {  	v0 =	vmin.u32 v0, $0x270F  }
0x49: {  	v0 =	vshll.u32 v0, $0x4;
	_ =	sdelay $0x3  }
0x4a: {  	s16 =	sadd.s32 $0x800, s17  }
0x4b: {  	[tilespmem:s16], [sflag:$0x1] =	stream.indirect_vreg.gather [hbm:s4], $0x80, v0, vm0, $0x38;
	[tilespmem:$0x19320] =	vst v63  }
0x4c: {  	s16 =	sadd.s32 $0x400, s16  }
0x4d: {  	[tilespmem:s16], [sflag:$0x1] =	stream.indirect_vreg.gather [hbm:s4], $0x80, v0, vm1, $0x38;
	[tilespmem:$0x19320] =	vst v63  }
0x4e: {  	s13 =	sshll.u32 s13, $0x4;
	_ =	swait.ge [sflag:s6], $0xC800  }
0x4f: {  	s13 =	sadd.s32 s13, s9;
	[sflag:s6] =	ssyncset.done $0x0  }
0x50: {  	s17 =	sadd.s32 $0x0, s13;
	s16 =	simm.s32 $0x80;
	[sflag:s6] =	ssyncadd.s32 $0xFFFF3800  }
.LBB2_5:
0x51: {  	[hbm:s17] =	stream.linear.scatter [tilespmem:s14], [sflag:$0x3], $0x400, $0x38;
	[tilespmem:$0x19320] =	vst v63  }
0x52: {  	s17 =	smov.u32 s16;
	s14 =	smov.u32 s15;
	p1 =	sne.s32 s16, $0x1880  }
.Ltmp4:
0x53: {  	s16 =	sadd.s32 $0x80, s16;
	(pc) =	sbr.rel @p1 .LBB2_5-.Ltmp4, $2  }
0x54: {  	_ =	sdelay $0x2  }
0x55: {  	s15 =	sadd.s32 $0x400, s15;
	s17 =	sadd.s32 s17, s13  }
.Ltmp5:
0x56: {  	_ = 	snop;
	(pc) =	sbr.rel .LBB2_6-.Ltmp5, $1  }
0x57: {  	_ =	sdelay $0x3  }
.LBB2_8:
0x58: {  	_ =	sfence.sel $0x180000  }
0x59: {  	s1 =	simm.s32 $0x2;
	[bflag:$0x0] =	sbarrier.arrive $0xFFFF  }
0x5a: {  	s30 =	simm.s32 $0x3;
	[sflag:s1] =	ssyncpa.u1 $0x1  }
0x5b: {  	s31 =	simm.s32 $0x1;
	[sflag:s30] =	ssyncpa.u1 $0x1  }
0x5c: {  	[sflag:s31] =	ssyncpa.u1 $0x1  }
0x5d: {  	p0 =	sne.s32 s0, $0x0;
	_ =	strace $0x9000004D  }
0x5e: {  	s0 =	sadd.s32 @!p0 $0x100000, s2;
	[bflag:$0x2] =	sbarrier.arrive $0xFFFF  }
0x5f: {  	[sflag:s0] =	ssyncadd.tile.s32 @!p0 $0x1;
	_ =	shalt  }
.Lfunc_end2:
_tile_overlayer_lowered:
.L_overlay_start_2:
0x60: {  	(tag) =	ssettag $0x2  }
0x61: {  	s0 =	rddreg [dreg:$0x0];
	s2 =	stileid.u32  }
0x62: {  	s1 =	rddreg [dreg:$0x1];
	p0 =	sne.s32 s2, $0x0  }
0x63: {  	s3 =	rddreg [dreg:$0x2];
	[bflag:$0x3] =	sbarrier.arrive $0xFFFF;
	s2 =	simm.s32 @!p0 $0x1C01  }
0x64: {  	[timem:s3], [sflag:s2] =	dma.local @!p0 [hbm:s0], s1  }
0x65: {  	s0 =	simm.s32 @!p0 $0x1  }
0x66: {  	_ =	swait.ge @!p0 [sflag:s0], s1  }
0x67: {  	s1 =	ssub.s32 @!p0 $0x0, s1;
	[sflag:s0] =	ssyncset.done @!p0 $0x0  }
0x68: {  	[sflag:s0] =	ssyncadd.s32 @!p0 s1  }
0x69: {  	[bflag:$0x3] =	sbarrier.arrive $0xFFFF  }
0x6a: {  	_ =	shalt  }

// kernel: kernel.6.cloned.1.call-start
scs
__scs_entry_jumppad:
0x0: {  	(pc) =	sbr.rel $0x88, $3  }
0x1: {  	(tag) =	ssettag $0x0;
	lr =	simm.s32 $0x1  }
0x2: {  	[smem:$0x3F9C] =	sst lr;
	_ =	strace $0xD0000000  }
0x3: {  	_ = 	snop  }
0x4: {  	_ = 	snop  }
0x5: {  	_ = 	snop  }
0x6: {  	_ = 	snop  }
0x7: {  	_ = 	snop  }
__scs_overlays_trampoline_lowered:
0x8: {  	[smem:$0x3FAB] =	sst s0  }
0x9: {  	[smem:$0x3FAC] =	sst s1  }
0xa: {  	[smem:$0x3FAD] =	sst s2  }
0xb: {  	[smem:$0x3FAE] =	sst s3  }
0xc: {  	[smem:$0x3FAF] =	sst s4  }
0xd: {  	[smem:$0x3FB0] =	sst s5  }
0xe: {  	[smem:$0x3FB1] =	sst s6  }
0xf: {  	[smem:$0x3FB2] =	sst s7  }
0x10: {  	[smem:$0x3FB3] =	sst s8  }
0x11: {  	[smem:$0x3FB4] =	sst s9;
	s0 =	simm.s32 @!p0 $0x0  }
0x12: {  	s1 =	sld [smem:$0x3F9A];
	s0 =	simm.s32 @p0 $0x1  }
0x13: {  	[smem:$0x3FB5] =	sst s0;
	s0 =	simm.s32 @!p1 $0x0  }
0x14: {  	s2 =	sld [smem:$0x3F99];
	s0 =	simm.s32 @p1 $0x1  }
0x15: {  	[smem:$0x3FB6] =	sst s0;
	s0 =	simm.s32 @!p2 $0x0  }
0x16: {  	s3 =	sld [smem:$0x3FDB];
	s0 =	simm.s32 @p2 $0x1  }
0x17: {  	s4 =	simm.s32 $0x1BF5;
	[smem:$0x3FB8] =	sst s0  }
0x18: {  	s0 =	sld [smem:$0x3F9B];
	_ =	swait.ge [sflag:s4], $0x0  }
0x19: {  	s7 =	sld [smem:$0x3F9C]  }
0x1a: {  	s8 =	sadd.s32 $0xFFFFE003, lr  }
0x1b: {  	s9 =	sadd.s32 $0xFFFFFEF7, lr;
	s5 =	simm.s32 $0xFFFFFFFF;
	p2 =	slt.u32 s8, $0xFFFFF086  }
0x1c: {  	p1 =	slt.u32 s9, $0xF7A;
	s5 =	simm.s32 @!p2 $0x0  }
0x1d: {  	s5 =	simm.s32 @p1 $0x1;
	p0 =	seq.s32 s7, s2  }
0x1e: {  	s7 =	smul.u32 @!p0 $0xF7A, s2;
	p2 =	seq.s32 @!p0 s5, $0x0  }
0x1f: {  	s9 =	smul.u32 $0xF7A, s1;
	s8 =	simm.s32 @!p0 $0x1BF5;
	p2 =	por !p2, p0  }
0x20: {  	[sflag:s8] =	ssyncset.s32 @!p0 $0xFFFFF086;
	s6 =	sadd.s32 @!p0 s3, s7;
	s7 =	simm.s32 @!p0 $0x108  }
0x21: {  	s3 =	sadd.s32 s3, s9;
	s6 =	sadd.s32 @!p0 $0x88, s6;
	s7 =	simm.s32 @p2 $0x1082  }
0x22: {  	[simem:s7], [sflag:s8] =	dma.local @!p0 [hbm:s6], $0xF7A  }
0x23: {  	s9 =	sor.u32 $0xD0000000, s2;
	s6 =	simm.s32 $0x108;
	_ =	swait.ge @!p0 [sflag:s8], $0x0  }
0x24: {  	s3 =	sadd.s32 $0x88, s3;
	s6 =	simm.s32 @!p1 $0x1082;
	[sflag:s4] =	ssyncset.s32 $0xFFFFF086  }
0x25: {  	[simem:s6], [sflag:s4] =	dma.local [hbm:s3], $0xF7A  }
0x26: {  	[smem:$0x3F9C] =	sst s1;
	(tag) =	ssettag s2;
	_ =	strace s9  }
0x27: {  	s1 =	sld [smem:$0x3FAC]  }
0x28: {  	s2 =	sld [smem:$0x3FAD]  }
0x29: {  	s4 =	sld [smem:$0x3FAF]  }
0x2a: {  	p0 =	seq.s32 s5, $0x0;
	s5 =	sld [smem:$0x3FB0]  }
0x2b: {  	s6 =	sld [smem:$0x3FB1]  }
0x2c: {  	s7 =	sld [smem:$0x3FB2]  }
0x2d: {  	s3 =	simm.s32 $0x108;
	s8 =	sld [smem:$0x3FB3]  }
0x2e: {  	s3 =	simm.s32 @!p0 $0x1082;
	s9 =	sld [smem:$0x3FB4]  }
0x2f: {  	lr =	sadd.s32 s0, s3;
	s0 =	sld [smem:$0x3FAB]  }
0x30: {  	s3 =	sld [smem:$0x3FAE]  }
0x31: {  	[smem:$0x3FB7] =	sst s10  }
0x32: {  	s10 =	sld [smem:$0x3FB5];
	_ =	sdelay $0x3  }
0x33: {  	p0 =	seq.s32 s10, $0x1;
	s10 =	sld [smem:$0x3FB7];
	_ =	sdelay $0x3  }
0x34: {  	[smem:$0x3FB7] =	sst s10  }
0x35: {  	s10 =	sld [smem:$0x3FB6];
	_ =	sdelay $0x3  }
0x36: {  	p1 =	seq.s32 s10, $0x1;
	s10 =	sld [smem:$0x3FB7];
	_ =	sdelay $0x3  }
0x37: {  	[smem:$0x3FB7] =	sst s10  }
0x38: {  	s10 =	sld [smem:$0x3FB8]  }
0x39: {  	_ = 	snop;
	(pc) =	sbr.ind lr, $3  }
0x3a: {  	_ = 	snop  }
0x3b: {  	_ = 	snop  }
0x3c: {  	p2 =	seq.s32 s10, $0x1;
	s10 =	sld [smem:$0x3FB7]  }
0x3d: {  	_ =	shalt  }
0x3e: {  	_ =	shalt  }
0x3f: {  	_ =	shalt  }
0x40: {  	_ =	shalt  }
0x41: {  	_ =	shalt  }
0x42: {  	_ =	shalt  }
0x43: {  	_ =	shalt  }
0x44: {  	_ =	shalt  }
0x45: {  	_ =	shalt  }
0x46: {  	_ =	shalt  }
0x47: {  	_ =	shalt  }
0x48: {  	_ =	shalt  }
0x49: {  	_ =	shalt  }
0x4a: {  	_ =	shalt  }
0x4b: {  	_ =	shalt  }
0x4c: {  	_ =	shalt  }
0x4d: {  	_ =	shalt  }
0x4e: {  	_ =	shalt  }
0x4f: {  	_ =	shalt  }
0x50: {  	_ =	shalt  }
0x51: {  	_ =	shalt  }
0x52: {  	_ =	shalt  }
0x53: {  	_ =	shalt  }
0x54: {  	_ =	shalt  }
0x55: {  	_ =	shalt  }
0x56: {  	_ =	shalt  }
0x57: {  	_ =	shalt  }
0x58: {  	_ =	shalt  }
0x59: {  	_ =	shalt  }
0x5a: {  	_ =	shalt  }
0x5b: {  	_ =	shalt  }
0x5c: {  	_ =	shalt  }
0x5d: {  	_ =	shalt  }
0x5e: {  	_ =	shalt  }
0x5f: {  	_ =	shalt  }
0x60: {  	_ =	shalt  }
0x61: {  	_ =	shalt  }
0x62: {  	_ =	shalt  }
0x63: {  	_ =	shalt  }
0x64: {  	_ =	shalt  }
0x65: {  	_ =	shalt  }
0x66: {  	_ =	shalt  }
0x67: {  	_ =	shalt  }
0x68: {  	_ =	shalt  }
0x69: {  	_ =	shalt  }
0x6a: {  	_ =	shalt  }
0x6b: {  	_ =	shalt  }
0x6c: {  	_ =	shalt  }
0x6d: {  	_ =	shalt  }
0x6e: {  	_ =	shalt  }
0x6f: {  	_ =	shalt  }
0x70: {  	_ =	shalt  }
0x71: {  	_ =	shalt  }
0x72: {  	_ =	shalt  }
0x73: {  	_ =	shalt  }
0x74: {  	_ =	shalt  }
0x75: {  	_ =	shalt  }
0x76: {  	_ =	shalt  }
0x77: {  	_ =	shalt  }
0x78: {  	_ =	shalt  }
0x79: {  	_ =	shalt  }
0x7a: {  	_ =	shalt  }
0x7b: {  	_ =	shalt  }
0x7c: {  	_ =	shalt  }
0x7d: {  	_ =	shalt  }
0x7e: {  	_ =	shalt  }
0x7f: {  	_ =	shalt  }
0x80: {  	_ =	shalt  }
0x81: {  	_ =	shalt  }
0x82: {  	_ =	shalt  }
0x83: {  	_ =	shalt  }
0x84: {  	_ =	shalt  }
0x85: {  	_ =	shalt  }
0x86: {  	_ =	shalt  }
0x87: {  	_ =	shalt  }
.Lfunc_end0:
.L_simem_size_0:
called_computation.1_lowered:
.L_overlay_start_0:
0x88: {  	s2 =	sld [smem:$0x3FD9]  }
0x89: {  	s3 =	sld [smem:$0x3FFE];
	_ =	sdelay $0x1  }
0x8a: {  	s1 =	srdreg.scid  }
0x8b: {  	s0 =	sand.u32 $0x1, s1  }
0x8c: {  	s14 =	sshll.u32 s0, $0xA;
	s2 =	sadd.s32 s3, s2  }
0x8d: {  	s2 =	sadd.s32 s2, s14  }
0x8e: {  	[smem:$0x3FC3] =	sst s2  }
0x8f: {  	_ = 	snop  }
0x90: {  	s2 =	sld [smem:$0x3FD0];
	_ =	sdelay $0x2  }
0x91: {  	s15 =	simm.s32 $0xA;
	s4 =	simm.s32 $0x10  }
0x92: {  	[smem:s4], [sflag:s15] =	dma.local [hbm:s2], $0x1  }
0x93: {  	_ =	swait.eq [sflag:s15], $0x1  }
0x94: {  	[sflag:s15] =	ssyncset.done $0x0  }
0x95: {  	[sflag:s15] =	ssyncadd.s32 $0xFFFFFFFF  }
0x96: {  	s16 =	sld [smem:$0x10];
	(tm) =	ssettm $0x1  }
0x97: {  	s17 =	sld [smem:$0x3FFB];
	_ =	sdelay $0x3  }
0x98: {  	_ =	strace s17  }
0x99: {  	s3 =	sld [smem:$0x3FFC];
	_ =	sdelay $0x3  }
0x9a: {  	_ =	strace s3  }
0x9b: {  	s3 =	sld [smem:$0x3FFD];
	_ =	sdelay $0x3  }
0x9c: {  	_ =	strace s3  }
0x9d: {  	_ =	strace $0x8FFFFFFF  }
0x9e: {  	s18 =	sld [smem:$0x3FDB];
	_ =	sdelay $0x1  }
0x9f: {  	s19 =	simm.s32 $_scs_section_size  }
0xa0: {  	s5 =	simm.s32 $_size__tile_overlayer_lowered;
	s6 =	simm.s32 $_tile_overlayer_lowered  }
0xa1: {  	s22 =	simm.s32 $0x1BFF;
	s21 =	sshll.u32 s6, $0x1;
	s3 =	sadd.s32 s19, s18  }
0xa2: {  	s7 =	simm.s32 $0x0;
	s20 =	sshll.u32 s5, $0x1;
	s5 =	sadd.s32 s21, s3  }
0xa3: {  	[timem:s7], [sflag:s22] =	dma.local [hbm:s5], s20  }
0xa4: {  	_ =	swait.ge [sflag:s22], s20  }
0xa5: {  	s4 =	ssub.s32 $0x0, s20;
	[sflag:s22] =	ssyncset.done $0x0  }
0xa6: {  	[sflag:s22] =	ssyncadd.s32 s4;
	_ =	sdelay $0x1  }
0xa7: {  	s23 =	simm.s32 $0x1B8B  }
0xa8: {  	_ =	swait.ge [sflag:s23], $0x1  }
0xa9: {  	[sflag:s23] =	ssyncset.done $0x0  }
0xaa: {  	s25 =	simm.s32 $0x1B8E;
	s24 =	sld [smem:$0x3FFE];
	[sflag:s23] =	ssyncadd.s32 $0xFFFFFFFF  }
0xab: {  	s26 =	simm.s32 $execute0_lowered;
	[smem:$0x3FD2] =	sst s25  }
0xac: {  	s5 =	sshll.u32 s26, $0x1;
	_ =	strace $0x80000046;
	[dreg:$0x1] =	wrdreg $0xFFFFFFFF  }
0xad: {  	s28 =	simm.s32 $_size_execute0_lowered;
	s3 =	sadd.s32 s3, s5;
	[dreg:$0x0] =	wrdreg $0x0  }
0xae: {  	s5 =	sshll.u32 s28, $0x1;
	[dreg:$0x2] =	wrdreg s3  }
0xaf: {  	[dreg:$0x3] =	wrdreg s5  }
0xb0: {  	[dreg:$0x4] =	wrdreg $0xC0  }
0xb1: {  	_ =	task [dreg:s7], $0x5FFFF  }
0xb2: {  	[dreg:$0x1] =	wrdreg $0xFFFFFFFF  }
0xb3: {  	[dreg:$0x0] =	wrdreg $0x60  }
0xb4: {  	[dreg:$0x2] =	wrdreg s16  }
0xb5: {  	[dreg:$0x3] =	wrdreg s24  }
0xb6: {  	[dreg:$0x4] =	wrdreg $0x7A000  }
0xb7: {  	[dreg:$0x5] =	wrdreg $0x9  }
0xb8: {  	_ =	task.clear_ibuf [dreg:s7], $0x6FFFF;
	_ =	strace $0x90000046  }
0xb9: {  	s29 =	simm.s32 $0x9;
	_ =	strace $0x80000048  }
0xba: {  	_ =	swait.ge [sflag:s29], $0x1  }
0xbb: {  	[sflag:s29] =	ssyncadd.s32 $0xFFFFFFFF  }
0xbc: {  	_ =	strace $0x90000048  }
0xbd: {  	_ =	sfence  }
0xbe: {  	s30 =	sld [smem:$0x0];
	_ =	sdelay $0x2  }
0xbf: {  	s31 =	sshll.u32 s1, $0xD;
	s1 =	sshrl.u32 s1, $0x2  }
0xc0: {  	s3 =	sand.u32 $0x4000, s31;
	s1 =	sadd.s32 s1, s30  }
0xc1: {  	s0 =	sor.u32 s3, s0;
	s1 =	sshll.u32 s1, $0x11  }
0xc2: {  	s0 =	sor.u32 s1, s0  }
0xc3: {  	s0 =	sadd.s32 $0x8F2B, s0  }
0xc4: {  	[sflag:s0] =	ssyncadd.remote.s32 $0x1  }
0xc5: {  	_ =	sfence.sel $0xFFFF  }
0xc6: {  	[dreg:$0x0] =	wrdreg $0xFFFFFFFF;
	(pc) =	sbr.abs _section_cstart, $3  }
0xc7: {  	[dreg:$0x1] =	wrdreg $0xFFFFFFFF  }
0xc8: {  	_ =	task.clear_ibuf [dreg:s7], $0x2FFFF;
	_ =	strace $0x9FFFFFFF  }
0xc9: {  	(tm) =	ssettm $0x7FFFFFFF  }
tec
execute0_lowered:
.L_overlay_start_1:
0x0: {  	(tag) =	ssettag $0x1  }
0x1: {  	s3 =	rddreg [dreg:$0x0]  }
0x2: {  	s4 =	rddreg [dreg:$0x1];
	s1 =	srdreg.scid  }
0x3: {  	s0 =	stileid.u32;
	s5 =	rddreg [dreg:$0x2];
	s2 =	simm.s32 $0x0  }
0x4: {  	s11 =	simm.s32 $0x400;
	s12 =	simm.s32 $0x1400;
	s13 =	simm.s32 $0x14000  }
0x5: {  	s14 =	simm.s32 $0x4F80;
	s15 =	simm.s32 $0x7780;
	s16 =	simm.s32 $0x0  }
0x6: {  	s6 =	sand.u32 $0x1, s1;
	s7 =	smul.u32 $0x280, s0;
	s1 =	rddreg [dreg:$0x3]  }
0x7: {  	[smem:$0x7FF] =	sst s2;
	s23 =	sshrl.u32 s0, $0x3;
	s28 =	smul.u32 $0x5000, s0  }
0x8: {  	s25 =	sshll.u32 s0, $0x7;
	s8 =	smul.u32 $0x2800, s6;
	s9 =	sshll.u32 s6, $0x4  }
0x9: {  	_ =	strace $0x80000047;
	s6 =	ssub.s32 $0x2, s6;
	s29 =	sand.u32 $0x380, s25  }
0xa: {  	s22 =	sor.u32 s0, s9;
	s10 =	sshrl.u32 s6, $0x1;
	s9 =	smul.u32 $0x50000, s23  }
0xb: {  	s31 =	sshrl.u32 s28, $0x2;
	s7 =	sadd.s32 s7, s8;
	s8 =	smul.u32 $0x2710, s22  }
0xc: {  	s10 =	ssub.s32 s6, s10;
	s7 =	sshrl.u32 s7, $0x3;
	s26 =	sshrl.u32 s9, $0x2  }
0xd: {  	s9 =	simm.s32 $0x2780;
	s7 =	sadd.s32 s7, s4;
	s24 =	sshrl.u32 s8, $0x3  }
0xe: {  	s30 =	sadd.s32 s26, s5;
	s5 =	sadd.s32 s31, s5;
	s8 =	simm.s32 $0x1  }
0xf: {  	s3 =	sadd.s32 s3, s24;
	s4 =	sadd.s32 s29, s30;
	s6 =	sadd.s32 $0x1200, s7  }
0x10: {  	v0 =	vimm.f32 $0.0e+00;
	v1 =	vimm.f32 $1.000000000e+00;
	s7 =	smax.u32 s10, $0x1;
	s10 =	simm.s32 $0x80;
	s3 =	sadd.s32 $0x9C40, s3  }
.LBB2_1:
0x11: {  	[tilespmem:s2], [sflag:$0x1] =	stream.linear.gather [hbm4b:s3+s2], $0x2710, $0x38;
	[tilespmem:$0xA200] =	vst v63  }
0x12: {  	_ =	swait.ge [sflag:s8], $0x2710  }
0x13: {  	[sflag:s8] =	ssyncset.done $0x0  }
0x14: {  	s17 =	simm.s32 $0x0;
	[sflag:s8] =	ssyncadd.s32 $0xFFFFD8F0  }
.LBB2_2:
0x15: {  	p0 =	sne.s32 s17, $0x9FC0  }
.Ltmp0:
0x16: {  	_ = 	snop;
	(pc) =	sbr.rel @p0 .LBB2_2-.Ltmp0, $3  }
0x17: {  	_ =	sdelay $0x1  }
0x18: {  	s18 =	sshra.s32 s17, $0x2  }
0x19: {  	s17 =	sadd.s32 $0x40, s17;
	[tilespmem:s18+$0x2780] =	vst v0  }
0x1a: {  	s18 =	simm.s32 $0x0;
	s17 =	simm.s32 $0x40  }
.LBB2_4:
0x1b: {  	p0 =	sne.s32 s17, $0x9C00;
	v2 =	vld [tilespmem:s18+$0x0];
	_ =	sdelay $0x3  }
.Ltmp1:
0x1c: {  	(pc) =	sbr.rel @p0 .LBB2_4-.Ltmp1, $2  }
0x1d: {  	_ =	sdelay $0x2  }
0x1e: {  	s18 =	sshra.s32 s17, $0x2;
	s17 =	sadd.s32 $0x40, s17;
	[tilespmem:v2+s9+$0x0] =	vst.idx.add.f32.msk $0xffff, v1  }
0x1f: {  	v2 =	vld [tilespmem:s18+$0x0];
	_ =	sdelay $0x7  }
0x20: {  	[tilespmem:v2+s9+$0x0] =	vst.idx.add.f32.msk $0xffff, v1  }
0x21: {  	[spmem:s4] =	stream.strided.scatter [tilespmem:s9], [sflag:$0x1], $0x2800, s11, s10, $0x38;
	[tilespmem:$0xA200] =	vst v63  }
0x22: {  	_ =	swait.ge [sflag:s8], $0x2800  }
0x23: {  	[sflag:s8] =	ssyncset.done $0x0  }
0x24: {  	[sflag:s8] =	ssyncadd.s32 $0xFFFFD800  }
0x25: {  	[bflag:$0x0] =	sbarrier.arrive $0xFFFF  }
0x26: {  	[tilespmem:s14], [sflag:$0x1] =	stream.strided.gather [spmem:s5], $0x2800, s13, s12, $0x38;
	[tilespmem:$0xA200] =	vst v63  }
0x27: {  	s17 =	simm.s32 $0x0;
	_ =	swait.ge [sflag:s8], $0x2800  }
0x28: {  	s30 =	sand.u32 $0x70, s17;
	s17 =	sand.u32 $0x1C00, s17;
	[sflag:s8] =	ssyncset.done $0x0  }
0x29: {  	s17 =	sor.u32 s30, s17;
	[sflag:s8] =	ssyncadd.s32 $0xFFFFD800  }
0x2a: {  	v2 =	vld [tilespmem:s17+$0x5000]  }
0x2b: {  	v3 =	vld [tilespmem:s17+$0x4F80];
	_ =	sdelay $0x1  }
0x2c: {  	v4 =	vld [tilespmem:s17+$0x5080];
	_ =	sdelay $0x1  }
0x2d: {  	v5 =	vld [tilespmem:s17+$0x5100]  }
0x2e: {  	v2 =	vadd.f32 v2, v3  }
0x2f: {  	v3 =	vld [tilespmem:s17+$0x5180]  }
0x30: {  	v2 =	vadd.f32 v4, v2  }
0x31: {  	v56 =	vld [tilespmem:s17+$0x5200]  }
0x32: {  	v2 =	vadd.f32 v5, v2  }
0x33: {  	v57 =	vld [tilespmem:s17+$0x5280]  }
0x34: {  	v2 =	vadd.f32 v3, v2  }
0x35: {  	v3 =	vld [tilespmem:s17+$0x5300]  }
0x36: {  	v2 =	vadd.f32 v56, v2  }
0x37: {  	v58 =	vld [tilespmem:s17+$0x6380]  }
0x38: {  	v2 =	vadd.f32 v57, v2  }
0x39: {  	v59 =	vld [tilespmem:s17+$0x6400]  }
0x3a: {  	v2 =	vadd.f32 v3, v2  }
0x3b: {  	v3 =	vld [tilespmem:s17+$0x6480]  }
0x3c: {  	v2 =	vadd.f32 v58, v2  }
0x3d: {  	v60 =	vld [tilespmem:s17+$0x6500]  }
0x3e: {  	v2 =	vadd.f32 v59, v2  }
0x3f: {  	v61 =	vld [tilespmem:s17+$0x6580]  }
0x40: {  	v2 =	vadd.f32 v3, v2  }
0x41: {  	v3 =	vld [tilespmem:s17+$0x6600]  }
0x42: {  	v2 =	vadd.f32 v60, v2  }
0x43: {  	v62 =	vld [tilespmem:s17+$0x6680]  }
0x44: {  	v2 =	vadd.f32 v61, v2  }
0x45: {  	v63 =	vld [tilespmem:s17+$0x6700]  }
0x46: {  	v2 =	vadd.f32 v3, v2;
	_ =	sdelay $0x1  }
0x47: {  	v2 =	vadd.f32 v62, v2;
	_ =	sdelay $0x1  }
0x48: {  	s31 =	simm.s32 $0x10;
	s19 =	simm.s32 $0x80;
	v2 =	vadd.f32 v63, v2  }
0x49: {  	s18 =	sand.u32 $0x70, s31;
	s20 =	sand.u32 $0x1C00, s19;
	s17 =	simm.s32 $0x7780  }
0x4a: {  	s18 =	sor.u32 s18, s20;
	s20 =	simm.s32 $0x20;
	[tilespmem:s17+$0x0] =	vst v2  }
.LBB2_6:
0x4b: {  	p0 =	sne.s32 s20, $0x270;
	v2 =	vld [tilespmem:s18+$0x5000]  }
0x4c: {  	v3 =	vld [tilespmem:s18+$0x4F80];
	_ =	sdelay $0x1  }
0x4d: {  	v4 =	vld [tilespmem:s18+$0x5080];
	_ =	sdelay $0x1  }
0x4e: {  	v5 =	vld [tilespmem:s18+$0x5100]  }
0x4f: {  	v2 =	vadd.f32 v2, v3  }
0x50: {  	v3 =	vld [tilespmem:s18+$0x5180]  }
0x51: {  	v2 =	vadd.f32 v4, v2  }
0x52: {  	v4 =	vld [tilespmem:s18+$0x5200]  }
0x53: {  	v2 =	vadd.f32 v5, v2  }
0x54: {  	v5 =	vld [tilespmem:s18+$0x5280]  }
0x55: {  	v2 =	vadd.f32 v3, v2  }
0x56: {  	v3 =	vld [tilespmem:s18+$0x5300]  }
0x57: {  	v2 =	vadd.f32 v4, v2  }
0x58: {  	v4 =	vld [tilespmem:s18+$0x6380]  }
0x59: {  	v2 =	vadd.f32 v5, v2  }
0x5a: {  	v5 =	vld [tilespmem:s18+$0x6400]  }
0x5b: {  	v2 =	vadd.f32 v3, v2  }
0x5c: {  	v3 =	vld [tilespmem:s18+$0x6480]  }
0x5d: {  	v2 =	vadd.f32 v4, v2  }
0x5e: {  	v4 =	vld [tilespmem:s18+$0x6500]  }
0x5f: {  	v2 =	vadd.f32 v5, v2  }
0x60: {  	v5 =	vld [tilespmem:s18+$0x6580]  }
0x61: {  	v2 =	vadd.f32 v3, v2  }
0x62: {  	v3 =	vld [tilespmem:s18+$0x6600]  }
0x63: {  	v2 =	vadd.f32 v4, v2  }
0x64: {  	v4 =	vld [tilespmem:s18+$0x6680]  }
0x65: {  	v2 =	vadd.f32 v5, v2  }
0x66: {  	v5 =	vld [tilespmem:s18+$0x6700]  }
0x67: {  	v2 =	vadd.f32 v3, v2;
	_ =	sdelay $0x1  }
.Ltmp2:
0x68: {  	v2 =	vadd.f32 v4, v2;
	(pc) =	sbr.rel @p0 .LBB2_6-.Ltmp2, $4  }
0x69: {  	_ = 	snop  }
0x6a: {  	s19 =	sadd.s32 $0x80, s19;
	v2 =	vadd.f32 v5, v2  }
0x6b: {  	s17 =	sadd.s32 $0x10, s17;
	s21 =	sand.u32 $0x1C00, s19;
	s18 =	sand.u32 $0x70, s20  }
0x6c: {  	s20 =	sadd.s32 $0x10, s20;
	s18 =	sor.u32 s18, s21;
	[tilespmem:s17+$0x0] =	vst v2  }
0x6d: {  	v2 =	vld [tilespmem:s18+$0x5000]  }
0x6e: {  	v3 =	vld [tilespmem:s18+$0x4F80];
	_ =	sdelay $0x1  }
0x6f: {  	v4 =	vld [tilespmem:s18+$0x5080];
	_ =	sdelay $0x1  }
0x70: {  	v5 =	vld [tilespmem:s18+$0x5100]  }
0x71: {  	v2 =	vadd.f32 v2, v3  }
0x72: {  	v3 =	vld [tilespmem:s18+$0x5180]  }
0x73: {  	v2 =	vadd.f32 v4, v2  }
0x74: {  	v56 =	vld [tilespmem:s18+$0x5200]  }
0x75: {  	v2 =	vadd.f32 v5, v2  }
0x76: {  	v57 =	vld [tilespmem:s18+$0x5280]  }
0x77: {  	v2 =	vadd.f32 v3, v2  }
0x78: {  	v3 =	vld [tilespmem:s18+$0x5300]  }
0x79: {  	v2 =	vadd.f32 v56, v2  }
0x7a: {  	v58 =	vld [tilespmem:s18+$0x6380]  }
0x7b: {  	v2 =	vadd.f32 v57, v2  }
0x7c: {  	v59 =	vld [tilespmem:s18+$0x6400]  }
0x7d: {  	v2 =	vadd.f32 v3, v2  }
0x7e: {  	v3 =	vld [tilespmem:s18+$0x6480]  }
0x7f: {  	v2 =	vadd.f32 v58, v2  }
0x80: {  	v60 =	vld [tilespmem:s18+$0x6500]  }
0x81: {  	v2 =	vadd.f32 v59, v2  }
0x82: {  	v61 =	vld [tilespmem:s18+$0x6580]  }
0x83: {  	v2 =	vadd.f32 v3, v2  }
0x84: {  	v3 =	vld [tilespmem:s18+$0x6600]  }
0x85: {  	v2 =	vadd.f32 v60, v2  }
0x86: {  	v62 =	vld [tilespmem:s18+$0x6680]  }
0x87: {  	v2 =	vadd.f32 v61, v2  }
0x88: {  	v63 =	vld [tilespmem:s18+$0x6700]  }
0x89: {  	v2 =	vadd.f32 v3, v2;
	_ =	sdelay $0x1  }
0x8a: {  	v2 =	vadd.f32 v62, v2;
	_ =	sdelay $0x1  }
0x8b: {  	s16 =	sadd.s32 $0x1, s16;
	v2 =	vadd.f32 v63, v2  }
0x8c: {  	s17 =	sadd.s32 $0x10, s17;
	p0 =	sne.s32 s16, s7  }
.Ltmp3:
0x8d: {  	[tilespmem:s17+$0x0] =	vst v2;
	(pc) =	sbr.rel @p0 .LBB2_1-.Ltmp3, $4  }
0x8e: {  	[hbm4b:s6+s2] =	stream.linear.scatter [tilespmem:s15], [sflag:$0x1], $0x280, $0x38;
	[tilespmem:$0xA200] =	vst v63  }
0x8f: {  	_ =	swait.ge [sflag:s8], $0x280  }
0x90: {  	[sflag:s8] =	ssyncset.done $0x0  }
0x91: {  	[sflag:s8] =	ssyncadd.s32 $0xFFFFFD80  }
0x92: {  	_ =	sfence.sel $0x180000  }
0x93: {  	[bflag:$0x0] =	sbarrier.arrive $0xFFFF  }
0x94: {  	p0 =	sne.s32 s0, $0x0;
	_ =	strace $0x90000047  }
0x95: {  	s0 =	sadd.s32 @!p0 $0x100000, s1;
	[bflag:$0x2] =	sbarrier.arrive $0xFFFF  }
0x96: {  	[sflag:s0] =	ssyncadd.tile.s32 @!p0 $0x1;
	_ =	shalt  }
.Lfunc_end2:
_tile_overlayer_lowered:
.L_overlay_start_2:
0x97: {  	(tag) =	ssettag $0x2  }
0x98: {  	s0 =	rddreg [dreg:$0x0];
	s2 =	stileid.u32  }
0x99: {  	s1 =	rddreg [dreg:$0x1];
	p0 =	sne.s32 s2, $0x0  }
0x9a: {  	s3 =	rddreg [dreg:$0x2];
	[bflag:$0x3] =	sbarrier.arrive $0xFFFF;
	s2 =	simm.s32 @!p0 $0x1C01  }
0x9b: {  	[timem:s3], [sflag:s2] =	dma.local @!p0 [hbm:s0], s1  }
0x9c: {  	s0 =	simm.s32 @!p0 $0x1  }
0x9d: {  	_ =	swait.ge @!p0 [sflag:s0], s1  }
0x9e: {  	s1 =	ssub.s32 @!p0 $0x0, s1;
	[sflag:s0] =	ssyncset.done @!p0 $0x0  }
0x9f: {  	[sflag:s0] =	ssyncadd.s32 @!p0 s1  }
0xa0: {  	[bflag:$0x3] =	sbarrier.arrive $0xFFFF  }
0xa1: {  	_ =	shalt  }

// kernel: kernel.9.cloned.1.call-start
scs
__scs_entry_jumppad:
0x0: {  	(pc) =	sbr.rel $0x88, $3  }
0x1: {  	(tag) =	ssettag $0x0;
	lr =	simm.s32 $0x1  }
0x2: {  	[smem:$0x3F9C] =	sst lr;
	_ =	strace $0xD0000000  }
0x3: {  	_ = 	snop  }
0x4: {  	_ = 	snop  }
0x5: {  	_ = 	snop  }
0x6: {  	_ = 	snop  }
0x7: {  	_ = 	snop  }
__scs_overlays_trampoline_lowered:
0x8: {  	[smem:$0x3FAB] =	sst s0  }
0x9: {  	[smem:$0x3FAC] =	sst s1  }
0xa: {  	[smem:$0x3FAD] =	sst s2  }
0xb: {  	[smem:$0x3FAE] =	sst s3  }
0xc: {  	[smem:$0x3FAF] =	sst s4  }
0xd: {  	[smem:$0x3FB0] =	sst s5  }
0xe: {  	[smem:$0x3FB1] =	sst s6  }
0xf: {  	[smem:$0x3FB2] =	sst s7  }
0x10: {  	[smem:$0x3FB3] =	sst s8  }
0x11: {  	[smem:$0x3FB4] =	sst s9;
	s0 =	simm.s32 @!p0 $0x0  }
0x12: {  	s1 =	sld [smem:$0x3F9A];
	s0 =	simm.s32 @p0 $0x1  }
0x13: {  	[smem:$0x3FB5] =	sst s0;
	s0 =	simm.s32 @!p1 $0x0  }
0x14: {  	s2 =	sld [smem:$0x3F99];
	s0 =	simm.s32 @p1 $0x1  }
0x15: {  	[smem:$0x3FB6] =	sst s0;
	s0 =	simm.s32 @!p2 $0x0  }
0x16: {  	s3 =	sld [smem:$0x3FDB];
	s0 =	simm.s32 @p2 $0x1  }
0x17: {  	s4 =	simm.s32 $0x1BF5;
	[smem:$0x3FB8] =	sst s0  }
0x18: {  	s0 =	sld [smem:$0x3F9B];
	_ =	swait.ge [sflag:s4], $0x0  }
0x19: {  	s7 =	sld [smem:$0x3F9C]  }
0x1a: {  	s8 =	sadd.s32 $0xFFFFE003, lr  }
0x1b: {  	s9 =	sadd.s32 $0xFFFFFEF7, lr;
	s5 =	simm.s32 $0xFFFFFFFF;
	p2 =	slt.u32 s8, $0xFFFFF086  }
0x1c: {  	p1 =	slt.u32 s9, $0xF7A;
	s5 =	simm.s32 @!p2 $0x0  }
0x1d: {  	s5 =	simm.s32 @p1 $0x1;
	p0 =	seq.s32 s7, s2  }
0x1e: {  	s7 =	smul.u32 @!p0 $0xF7A, s2;
	p2 =	seq.s32 @!p0 s5, $0x0  }
0x1f: {  	s9 =	smul.u32 $0xF7A, s1;
	s8 =	simm.s32 @!p0 $0x1BF5;
	p2 =	por !p2, p0  }
0x20: {  	[sflag:s8] =	ssyncset.s32 @!p0 $0xFFFFF086;
	s6 =	sadd.s32 @!p0 s3, s7;
	s7 =	simm.s32 @!p0 $0x108  }
0x21: {  	s3 =	sadd.s32 s3, s9;
	s6 =	sadd.s32 @!p0 $0x88, s6;
	s7 =	simm.s32 @p2 $0x1082  }
0x22: {  	[simem:s7], [sflag:s8] =	dma.local @!p0 [hbm:s6], $0xF7A  }
0x23: {  	s9 =	sor.u32 $0xD0000000, s2;
	s6 =	simm.s32 $0x108;
	_ =	swait.ge @!p0 [sflag:s8], $0x0  }
0x24: {  	s3 =	sadd.s32 $0x88, s3;
	s6 =	simm.s32 @!p1 $0x1082;
	[sflag:s4] =	ssyncset.s32 $0xFFFFF086  }
0x25: {  	[simem:s6], [sflag:s4] =	dma.local [hbm:s3], $0xF7A  }
0x26: {  	[smem:$0x3F9C] =	sst s1;
	(tag) =	ssettag s2;
	_ =	strace s9  }
0x27: {  	s1 =	sld [smem:$0x3FAC]  }
0x28: {  	s2 =	sld [smem:$0x3FAD]  }
0x29: {  	s4 =	sld [smem:$0x3FAF]  }
0x2a: {  	p0 =	seq.s32 s5, $0x0;
	s5 =	sld [smem:$0x3FB0]  }
0x2b: {  	s6 =	sld [smem:$0x3FB1]  }
0x2c: {  	s7 =	sld [smem:$0x3FB2]  }
0x2d: {  	s3 =	simm.s32 $0x108;
	s8 =	sld [smem:$0x3FB3]  }
0x2e: {  	s3 =	simm.s32 @!p0 $0x1082;
	s9 =	sld [smem:$0x3FB4]  }
0x2f: {  	lr =	sadd.s32 s0, s3;
	s0 =	sld [smem:$0x3FAB]  }
0x30: {  	s3 =	sld [smem:$0x3FAE]  }
0x31: {  	[smem:$0x3FB7] =	sst s10  }
0x32: {  	s10 =	sld [smem:$0x3FB5];
	_ =	sdelay $0x3  }
0x33: {  	p0 =	seq.s32 s10, $0x1;
	s10 =	sld [smem:$0x3FB7];
	_ =	sdelay $0x3  }
0x34: {  	[smem:$0x3FB7] =	sst s10  }
0x35: {  	s10 =	sld [smem:$0x3FB6];
	_ =	sdelay $0x3  }
0x36: {  	p1 =	seq.s32 s10, $0x1;
	s10 =	sld [smem:$0x3FB7];
	_ =	sdelay $0x3  }
0x37: {  	[smem:$0x3FB7] =	sst s10  }
0x38: {  	s10 =	sld [smem:$0x3FB8]  }
0x39: {  	_ = 	snop;
	(pc) =	sbr.ind lr, $3  }
0x3a: {  	_ = 	snop  }
0x3b: {  	_ = 	snop  }
0x3c: {  	p2 =	seq.s32 s10, $0x1;
	s10 =	sld [smem:$0x3FB7]  }
0x3d: {  	_ =	shalt  }
0x3e: {  	_ =	shalt  }
0x3f: {  	_ =	shalt  }
0x40: {  	_ =	shalt  }
0x41: {  	_ =	shalt  }
0x42: {  	_ =	shalt  }
0x43: {  	_ =	shalt  }
0x44: {  	_ =	shalt  }
0x45: {  	_ =	shalt  }
0x46: {  	_ =	shalt  }
0x47: {  	_ =	shalt  }
0x48: {  	_ =	shalt  }
0x49: {  	_ =	shalt  }
0x4a: {  	_ =	shalt  }
0x4b: {  	_ =	shalt  }
0x4c: {  	_ =	shalt  }
0x4d: {  	_ =	shalt  }
0x4e: {  	_ =	shalt  }
0x4f: {  	_ =	shalt  }
0x50: {  	_ =	shalt  }
0x51: {  	_ =	shalt  }
0x52: {  	_ =	shalt  }
0x53: {  	_ =	shalt  }
0x54: {  	_ =	shalt  }
0x55: {  	_ =	shalt  }
0x56: {  	_ =	shalt  }
0x57: {  	_ =	shalt  }
0x58: {  	_ =	shalt  }
0x59: {  	_ =	shalt  }
0x5a: {  	_ =	shalt  }
0x5b: {  	_ =	shalt  }
0x5c: {  	_ =	shalt  }
0x5d: {  	_ =	shalt  }
0x5e: {  	_ =	shalt  }
0x5f: {  	_ =	shalt  }
0x60: {  	_ =	shalt  }
0x61: {  	_ =	shalt  }
0x62: {  	_ =	shalt  }
0x63: {  	_ =	shalt  }
0x64: {  	_ =	shalt  }
0x65: {  	_ =	shalt  }
0x66: {  	_ =	shalt  }
0x67: {  	_ =	shalt  }
0x68: {  	_ =	shalt  }
0x69: {  	_ =	shalt  }
0x6a: {  	_ =	shalt  }
0x6b: {  	_ =	shalt  }
0x6c: {  	_ =	shalt  }
0x6d: {  	_ =	shalt  }
0x6e: {  	_ =	shalt  }
0x6f: {  	_ =	shalt  }
0x70: {  	_ =	shalt  }
0x71: {  	_ =	shalt  }
0x72: {  	_ =	shalt  }
0x73: {  	_ =	shalt  }
0x74: {  	_ =	shalt  }
0x75: {  	_ =	shalt  }
0x76: {  	_ =	shalt  }
0x77: {  	_ =	shalt  }
0x78: {  	_ =	shalt  }
0x79: {  	_ =	shalt  }
0x7a: {  	_ =	shalt  }
0x7b: {  	_ =	shalt  }
0x7c: {  	_ =	shalt  }
0x7d: {  	_ =	shalt  }
0x7e: {  	_ =	shalt  }
0x7f: {  	_ =	shalt  }
0x80: {  	_ =	shalt  }
0x81: {  	_ =	shalt  }
0x82: {  	_ =	shalt  }
0x83: {  	_ =	shalt  }
0x84: {  	_ =	shalt  }
0x85: {  	_ =	shalt  }
0x86: {  	_ =	shalt  }
0x87: {  	_ =	shalt  }
.Lfunc_end0:
.L_simem_size_0:
called_computation.2_lowered:
.L_overlay_start_0:
0x88: {  	s2 =	sld [smem:$0x3FD9]  }
0x89: {  	s3 =	sld [smem:$0x3FFE];
	_ =	sdelay $0x1  }
0x8a: {  	s1 =	srdreg.scid  }
0x8b: {  	s0 =	sand.u32 $0x1, s1  }
0x8c: {  	s14 =	sshll.u32 s0, $0xA;
	s2 =	sadd.s32 s3, s2  }
0x8d: {  	s2 =	sadd.s32 s2, s14  }
0x8e: {  	[smem:$0x3FC3] =	sst s2  }
0x8f: {  	_ = 	snop  }
0x90: {  	s2 =	sld [smem:$0x3FD0];
	_ =	sdelay $0x2  }
0x91: {  	s15 =	simm.s32 $0xA;
	s4 =	simm.s32 $0x10  }
0x92: {  	[smem:s4], [sflag:s15] =	dma.local [hbm:s2], $0x1  }
0x93: {  	_ =	swait.eq [sflag:s15], $0x1  }
0x94: {  	[sflag:s15] =	ssyncset.done $0x0  }
0x95: {  	s16 =	sld [smem:$0x10];
	[sflag:s15] =	ssyncadd.s32 $0xFFFFFFFF  }
0x96: {  	s17 =	sld [smem:$0x11];
	(tm) =	ssettm $0x1  }
0x97: {  	s18 =	sld [smem:$0x3FFB];
	_ =	sdelay $0x3  }
0x98: {  	_ =	strace s18  }
0x99: {  	s4 =	sld [smem:$0x3FFC];
	_ =	sdelay $0x3  }
0x9a: {  	_ =	strace s4  }
0x9b: {  	s4 =	sld [smem:$0x3FFD];
	_ =	sdelay $0x3  }
0x9c: {  	_ =	strace s4  }
0x9d: {  	_ =	strace $0x8FFFFFFF  }
0x9e: {  	s19 =	sld [smem:$0x3FDB];
	_ =	sdelay $0x1  }
0x9f: {  	s5 =	simm.s32 $_scs_section_size  }
0xa0: {  	s6 =	simm.s32 $_size__tile_overlayer_lowered;
	s7 =	simm.s32 $_tile_overlayer_lowered  }
0xa1: {  	s22 =	simm.s32 $0x1BFF;
	s21 =	sshll.u32 s7, $0x1;
	s4 =	sadd.s32 s5, s19  }
0xa2: {  	s8 =	simm.s32 $0x0;
	s20 =	sshll.u32 s6, $0x1;
	s6 =	sadd.s32 s21, s4  }
0xa3: {  	[timem:s8], [sflag:s22] =	dma.local [hbm:s6], s20  }
0xa4: {  	_ =	swait.ge [sflag:s22], s20  }
0xa5: {  	s5 =	ssub.s32 $0x0, s20;
	[sflag:s22] =	ssyncset.done $0x0  }
0xa6: {  	[sflag:s22] =	ssyncadd.s32 s5;
	_ =	sdelay $0x1  }
0xa7: {  	s23 =	simm.s32 $0x1B8B  }
0xa8: {  	_ =	swait.ge [sflag:s23], $0x1  }
0xa9: {  	[sflag:s23] =	ssyncset.done $0x0  }
0xaa: {  	s25 =	simm.s32 $0x1B8E;
	s24 =	sld [smem:$0x3FFE];
	[sflag:s23] =	ssyncadd.s32 $0xFFFFFFFF  }
0xab: {  	s26 =	simm.s32 $execute0_lowered;
	[smem:$0x3FD2] =	sst s25  }
0xac: {  	s6 =	sshll.u32 s26, $0x1;
	_ =	strace $0x80000049;
	[dreg:$0x1] =	wrdreg $0xFFFFFFFF  }
0xad: {  	s28 =	simm.s32 $_size_execute0_lowered;
	s4 =	sadd.s32 s4, s6;
	[dreg:$0x0] =	wrdreg $0x0  }
0xae: {  	s6 =	sshll.u32 s28, $0x1;
	[dreg:$0x2] =	wrdreg s4  }
0xaf: {  	[dreg:$0x3] =	wrdreg s6  }
0xb0: {  	[dreg:$0x4] =	wrdreg $0xC0  }
0xb1: {  	_ =	task [dreg:s8], $0x5FFFF  }
0xb2: {  	[dreg:$0x1] =	wrdreg $0xFFFFFFFF  }
0xb3: {  	[dreg:$0x0] =	wrdreg $0x60  }
0xb4: {  	[dreg:$0x2] =	wrdreg s17  }
0xb5: {  	[dreg:$0x3] =	wrdreg s24  }
0xb6: {  	[dreg:$0x4] =	wrdreg s16  }
0xb7: {  	[dreg:$0x5] =	wrdreg $0x90000  }
0xb8: {  	[dreg:$0x6] =	wrdreg $0x9  }
0xb9: {  	_ =	task.clear_ibuf [dreg:s8], $0x7FFFF;
	_ =	strace $0x90000049  }
0xba: {  	s29 =	simm.s32 $0x9;
	_ =	strace $0x8000004B  }
0xbb: {  	_ =	swait.ge [sflag:s29], $0x1  }
0xbc: {  	[sflag:s29] =	ssyncadd.s32 $0xFFFFFFFF  }
0xbd: {  	_ =	strace $0x9000004B  }
0xbe: {  	_ =	sfence  }
0xbf: {  	s30 =	sld [smem:$0x0];
	_ =	sdelay $0x2  }
0xc0: {  	s31 =	sshll.u32 s1, $0xD;
	s1 =	sshrl.u32 s1, $0x2  }
0xc1: {  	s3 =	sand.u32 $0x4000, s31;
	s1 =	sadd.s32 s1, s30  }
0xc2: {  	s0 =	sor.u32 s3, s0;
	s1 =	sshll.u32 s1, $0x11  }
0xc3: {  	s0 =	sor.u32 s1, s0  }
0xc4: {  	s0 =	sadd.s32 $0x8F2B, s0  }
0xc5: {  	[sflag:s0] =	ssyncadd.remote.s32 $0x1  }
0xc6: {  	_ =	sfence.sel $0xFFFF  }
0xc7: {  	[dreg:$0x0] =	wrdreg $0xFFFFFFFF;
	(pc) =	sbr.abs _section_cstart, $3  }
0xc8: {  	[dreg:$0x1] =	wrdreg $0xFFFFFFFF  }
0xc9: {  	_ =	task.clear_ibuf [dreg:s8], $0x2FFFF;
	_ =	strace $0x9FFFFFFF  }
0xca: {  	(tm) =	ssettm $0x7FFFFFFF  }
0xcb: {  	_ =	shalt  }
tec
execute0_lowered:
.L_overlay_start_1:
0x0: {  	(tag) =	ssettag $0x1  }
0x1: {  	s1 =	rddreg [dreg:$0x0]  }
0x2: {  	s8 =	rddreg [dreg:$0x1]  }
0x3: {  	s3 =	rddreg [dreg:$0x2]  }
0x4: {  	s0 =	srdreg.scid;
	s4 =	rddreg [dreg:$0x3];
	s5 =	simm.s32 $0x0  }
0x5: {  	s15 =	simm.s32 $0x1;
	s6 =	sand.u32 $0x1, s0;
	s0 =	stileid.u32  }
0x6: {  	[smem:$0x7FF] =	sst s5;
	s14 =	sadd.s32 $0xBC00, s8;
	s7 =	smul.u32 $0x28000, s6  }
0x7: {  	s2 =	sshll.u32 s6, $0x4;
	s9 =	smul.u32 $0x50000, s0;
	s6 =	ssub.s32 $0x2, s6  }
0x8: {  	s31 =	sshll.u32 s0, $0x6;
	s17 =	smul.u32 $0x2800, s0;
	s2 =	sor.u32 s0, s2  }
0x9: {  	s30 =	sshrl.u32 s6, $0x1;
	s11 =	smul.u32 $0x500, s2;
	s2 =	rddreg [dreg:$0x4]  }
0xa: {  	_ =	strace $0x8000004A;
	s12 =	sadd.s32 s7, s8;
	s9 =	sshrl.u32 s9, $0x2  }
0xb: {  	s13 =	ssub.s32 s6, s30;
	s6 =	sor.u32 $0x1C02, s31;
	s9 =	sadd.s32 s9, s4  }
0xc: {  	s16 =	sadd.s32 $0x15C00, s12;
	s12 =	simm.s32 $0x2800;
	s10 =	sadd.s32 s11, s8  }
0xd: {  	s8 =	smax.u32 s13, $0x1;
	s9 =	sshrl.u32 s9, $0x3;
	s11 =	sadd.s32 s11, s14  }
0xe: {  	s13 =	simm.s32 $0x7D;
	s14 =	simm.s32 $0x5000;
	s16 =	sadd.s32 s17, s16  }
0xf: {  	s17 =	simm.s32 $0x0;
	s7 =	sadd.s32 $0x1C00, s10;
	s10 =	simm.s32 $0x2  }
.LBB2_1:
0x10: {  	[spmem:s9], [sflag:s6] =	dma.local [hbm:s3], $0x2800  }
0x11: {  	_ =	swait.ge [sflag:s10], $0x2800  }
0x12: {  	[sflag:s10] =	ssyncset.done $0x0  }
0x13: {  	[sflag:s10] =	ssyncadd.s32 $0xFFFFD800  }
0x14: {  	[tilespmem:s5], [sflag:$0x2] =	stream.linear.gather [hbm4b:s7+s5], $0x2800, $0x38;
	[tilespmem:$0x1D000] =	vst v63  }
0x15: {  	_ =	swait.ge [sflag:s10], $0x2800  }
0x16: {  	[sflag:s10] =	ssyncset.done $0x0  }
0x17: {  	[sflag:s10] =	ssyncadd.s32 $0xFFFFD800  }
0x18: {  	[tilespmem:s12], [sflag:$0x2] =	stream.linear.gather [hbm4b:s11+s5], $0x2800, $0x38;
	[tilespmem:$0x1D000] =	vst v63  }
0x19: {  	_ =	swait.ge [sflag:s10], $0x2800  }
0x1a: {  	[sflag:s10] =	ssyncset.done $0x0  }
0x1b: {  	[sflag:s10] =	ssyncadd.s32 $0xFFFFD800  }
0x1c: {  	s18 =	simm.s32 $0x0;
	[bflag:$0x0] =	sbarrier.arrive $0xFFFF  }
0x1d: {  	[tilespmem:s14], [sflag:$0x1] =	stream.indirect.gather [hbm4b:s1+s13], $0x80, s18, s13, $0xb8;
	[tilespmem:$0x1D000] =	vst v63  }
0x1e: {  	_ =	swait.ge [sflag:s15], $0x3E80  }
0x1f: {  	[sflag:s15] =	ssyncset.done $0x0  }
0x20: {  	s31 =	simm.s32 $0x2800;
	[sflag:s15] =	ssyncadd.s32 $0xFFFFC180  }
0x21: {  	[spmem:s4] =	stream.indirect.scatter.add.f32 [tilespmem:s14], [sflag:$0x2], $0x80, s31, s13, $0xb8;
	[tilespmem:$0x1D000] =	vst v63  }
0x22: {  	_ =	swait.ge [sflag:s10], $0x3E80  }
0x23: {  	s19 =	simm.s32 $0x400;
	s18 =	simm.s32 $0x200;
	[sflag:s10] =	ssyncset.done $0x0  }
.LBB2_2:
0x24: {  	s20 =	sshra.s32 s18, $0x2  }
0x25: {  	[sflag:s10] =	ssyncadd.s32 $0xFFFFC180;
	s18 =	smov.u32 s19;
	s21 =	sadd.s32 $0x200, s19  }
0x26: {  	[tilespmem:s14], [sflag:$0x1] =	stream.indirect.gather [hbm4b:s1+s13], $0x80, s20, s13, $0xb8;
	[tilespmem:$0x1D000] =	vst v63  }
0x27: {  	p0 =	sne.s32 s19, $0x9E00;
	_ =	swait.ge [sflag:s15], $0x3E80  }
.Ltmp0:
0x28: {  	[sflag:s15] =	ssyncset.done $0x0;
	(pc) =	sbr.rel @p0 .LBB2_2-.Ltmp0, $4  }
0x29: {  	s19 =	sadd.s32 $0x2800, s20;
	[sflag:s15] =	ssyncadd.s32 $0xFFFFC180  }
0x2a: {  	[spmem:s4] =	stream.indirect.scatter.add.f32 [tilespmem:s14], [sflag:$0x2], $0x80, s19, s13, $0xb8;
	[tilespmem:$0x1D000] =	vst v63  }
0x2b: {  	_ =	swait.ge [sflag:s10], $0x3E80  }
0x2c: {  	s19 =	smov.u32 s21;
	[sflag:s10] =	ssyncset.done $0x0  }
0x2d: {  	s18 =	sshra.s32 s18, $0x2;
	[sflag:s10] =	ssyncadd.s32 $0xFFFFC180  }
0x2e: {  	[tilespmem:s14], [sflag:$0x1] =	stream.indirect.gather [hbm4b:s1+s13], $0x80, s18, s13, $0xb8;
	[tilespmem:$0x1D000] =	vst v63  }
0x2f: {  	_ =	swait.ge [sflag:s15], $0x3E80  }
0x30: {  	[sflag:s15] =	ssyncset.done $0x0  }
0x31: {  	s18 =	sadd.s32 $0x2800, s18;
	[sflag:s15] =	ssyncadd.s32 $0xFFFFC180  }
0x32: {  	[spmem:s4] =	stream.indirect.scatter.add.f32 [tilespmem:s14], [sflag:$0x2], $0x80, s18, s13, $0xb8;
	[tilespmem:$0x1D000] =	vst v63  }
0x33: {  	_ =	swait.ge [sflag:s10], $0x3E80  }
0x34: {  	s17 =	sadd.s32 $0x1, s17;
	[sflag:s10] =	ssyncset.done $0x0  }
0x35: {  	p0 =	sne.s32 s17, s8;
	[sflag:s10] =	ssyncadd.s32 $0xFFFFC180  }
.Ltmp1:
0x36: {  	[bflag:$0x0] =	sbarrier.arrive $0xFFFF;
	(pc) =	sbr.rel @p0 .LBB2_1-.Ltmp1, $4  }
0x37: {  	[hbm:s16], [sflag:s6] =	dma.local [spmem:s9], $0x2800  }
0x38: {  	_ =	swait.ge [sflag:s10], $0x2800  }
0x39: {  	[sflag:s10] =	ssyncset.done $0x0  }
0x3a: {  	[sflag:s10] =	ssyncadd.s32 $0xFFFFD800  }
0x3b: {  	_ =	sfence.sel $0x180000  }
0x3c: {  	[bflag:$0x0] =	sbarrier.arrive $0xFFFF  }
0x3d: {  	p0 =	sne.s32 s0, $0x0;
	_ =	strace $0x9000004A  }
0x3e: {  	s0 =	sadd.s32 @!p0 $0x100000, s2;
	[bflag:$0x2] =	sbarrier.arrive $0xFFFF  }
0x3f: {  	[sflag:s0] =	ssyncadd.tile.s32 @!p0 $0x1;
	_ =	shalt  }
.Lfunc_end2:
_tile_overlayer_lowered:
.L_overlay_start_2:
0x40: {  	(tag) =	ssettag $0x2  }
0x41: {  	s0 =	rddreg [dreg:$0x0];
	s2 =	stileid.u32  }
0x42: {  	s1 =	rddreg [dreg:$0x1];
	p0 =	sne.s32 s2, $0x0  }
0x43: {  	s3 =	rddreg [dreg:$0x2];
	[bflag:$0x3] =	sbarrier.arrive $0xFFFF;
	s2 =	simm.s32 @!p0 $0x1C02  }
0x44: {  	[timem:s3], [sflag:s2] =	dma.local @!p0 [hbm:s0], s1  }
0x45: {  	s0 =	simm.s32 @!p0 $0x2  }
0x46: {  	_ =	swait.ge @!p0 [sflag:s0], s1  }
0x47: {  	s1 =	ssub.s32 @!p0 $0x0, s1;
	[sflag:s0] =	ssyncset.done @!p0 $0x0  }
0x48: {  	[sflag:s0] =	ssyncadd.s32 @!p0 s1  }
0x49: {  	[bflag:$0x3] =	sbarrier.arrive $0xFFFF  }
0x4a: {  	_ =	shalt  }

</sc_bundles>
